<compile_context>
chip_gen: v7x
topology: tpu7x:2x2x1
jax: 0.10.2.dev20260603
libtpu: 0.0.44.dev20260713+nightly
codegen_flags: <defaults>
</compile_context>

<pallas_src>
import functools

import jax
import jax.numpy as jnp
from jax import lax
from jax.experimental import pallas as pl
from jax.experimental.pallas import tpu as pltpu
from jax.experimental.pallas import tpu_sc as plsc

_NSUB = 16
_NCORE = 2
_CHUNK = 80


def _make_deg(npad, e):
    half = e // _NCORE
    epw = half // _NSUB
    iters = epw // _CHUNK
    npw = npad // _NSUB
    mesh = plsc.VectorSubcoreMesh(core_axis_name="c", subcore_axis_name="s")

    @functools.partial(
        pl.kernel,
        mesh=mesh,
        compiler_params=pltpu.CompilerParams(use_tc_tiling_on_sc=False),
        out_type=jax.ShapeDtypeStruct((_NCORE * npad, 16), jnp.float32),
        scratch_types=[
            pltpu.VMEM((_CHUNK,), jnp.int32),
            pltpu.VMEM((_CHUNK, 16), jnp.float32),
            pltpu.VMEM((npw, 16), jnp.float32),
            pltpu.VMEM_SHARED((npad, 16), jnp.float32),
        ],
    )
    def deg(dst_hbm, out_hbm, idx_d, ones, zeros, acc):
        c = lax.axis_index("c")
        s = lax.axis_index("s")

        def fill_ones(i, carry):
            ones[i] = jnp.ones((16,), jnp.float32)
            return carry

        lax.fori_loop(0, _CHUNK, fill_ones, 0)

        def fill_zeros(i, carry):
            zeros[i] = jnp.zeros((16,), jnp.float32)
            return carry

        lax.fori_loop(0, npw, fill_zeros, 0)

        row0 = s * npw
        pltpu.sync_copy(zeros, acc.at[pl.ds(row0, npw)])
        plsc.subcore_barrier()

        def body(j, carry):
            base = c * half + s * epw + j * _CHUNK
            pltpu.sync_copy(dst_hbm.at[pl.ds(base, _CHUNK)], idx_d)
            pltpu.sync_copy(ones, acc.at[idx_d], add=True)
            return carry

        lax.fori_loop(0, iters, body, 0)
        plsc.subcore_barrier()
        pltpu.sync_copy(acc.at[pl.ds(row0, npw)],
                        out_hbm.at[pl.ds(c * npad + row0, npw)])

    return deg


def _make_agg(npad, e, dh):
    epw = e // _NSUB
    iters = epw // _CHUNK
    npw = npad // _NSUB
    mesh = plsc.VectorSubcoreMesh(core_axis_name="c", subcore_axis_name="s")

    @functools.partial(
        pl.kernel,
        mesh=mesh,
        compiler_params=pltpu.CompilerParams(use_tc_tiling_on_sc=False),
        out_type=jax.ShapeDtypeStruct((_NCORE * npad, dh), jnp.float32),
        scratch_types=[
            pltpu.VMEM((_CHUNK,), jnp.int32),
            pltpu.VMEM((_CHUNK,), jnp.int32),
            pltpu.VMEM((_CHUNK, dh), jnp.float32),
            pltpu.VMEM_SHARED((npad, dh), jnp.float32),
            pltpu.SemaphoreType.DMA,
        ],
    )
    def agg(table_hbm, src2_hbm, dst_hbm, out_hbm, idx_s, idx_d, rows, acc,
            sem):
        c = lax.axis_index("c")
        s = lax.axis_index("s")
        row0 = s * npw
        pltpu.sync_copy(table_hbm.at[pl.ds(c * npad + row0, npw)],
                        acc.at[pl.ds(row0, npw)])
        plsc.subcore_barrier()

        def body(j, carry):
            base = s * epw + j * _CHUNK
            pltpu.sync_copy(src2_hbm.at[pl.ds(c * e + base, _CHUNK)], idx_s)
            pltpu.sync_copy(dst_hbm.at[pl.ds(base, _CHUNK)], idx_d)
            pltpu.async_copy(table_hbm.at[idx_s], rows, sem).wait()
            pltpu.sync_copy(rows, acc.at[idx_d], add=True)
            return carry

        lax.fori_loop(0, iters, body, 0)
        plsc.subcore_barrier()
        pltpu.sync_copy(acc.at[pl.ds(row0, npw)],
                        out_hbm.at[pl.ds(c * npad + row0, npw)])

    return agg


def _dvec(cnt_block):
    counts = (jnp.sum(cnt_block[0], axis=-1)
              + jnp.sum(cnt_block[1], axis=-1)) * (1.0 / 16.0)
    return lax.rsqrt(1.0 + counts)[:, None]


def _tc_scale1(x, w1, cnt, npad, block_rows=2000):
    n, din = x.shape
    dh = w1.shape[1]
    dh2 = dh // 2

    def body(x_ref, w_ref, cnt_ref, out_ref):
        d = _dvec(cnt_ref[...])
        h = jnp.dot(x_ref[...], w_ref[...],
                    preferred_element_type=jnp.float32) * d
        out_ref[0, :, :] = h[:, :dh2]
        out_ref[1, :, :] = h[:, dh2:]

    return pl.pallas_call(
        body,
        grid=(n // block_rows,),
        in_specs=[
            pl.BlockSpec((block_rows, din), lambda i: (i, 0)),
            pl.BlockSpec((din, dh), lambda i: (0, 0)),
            pl.BlockSpec((2, block_rows, 16), lambda i: (0, i, 0)),
        ],
        out_specs=pl.BlockSpec((2, block_rows, dh2), lambda i: (0, i, 0)),
        out_shape=jax.ShapeDtypeStruct((2, npad, dh2), jnp.float32),
    )(x, w1, cnt)


def _tc_mid(acc1, cnt, b1, w2, n, block_rows=2000):
    npad = acc1.shape[1]
    dh2 = acc1.shape[2]
    dout = w2.shape[1]
    do2 = dout // 2

    def body(a_ref, cnt_ref, b_ref, w_ref, out_ref):
        d = _dvec(cnt_ref[...])
        a = a_ref[...]
        full = jnp.concatenate([a[0], a[1]], axis=-1)
        h1 = jnp.maximum(full * d + b_ref[...], 0.0)
        h2 = jnp.dot(h1, w_ref[...], preferred_element_type=jnp.float32) * d
        out_ref[0, :, :] = h2[:, :do2]
        out_ref[1, :, :] = h2[:, do2:]

    return pl.pallas_call(
        body,
        grid=(n // block_rows,),
        in_specs=[
            pl.BlockSpec((2, block_rows, dh2), lambda i: (0, i, 0)),
            pl.BlockSpec((2, block_rows, 16), lambda i: (0, i, 0)),
            pl.BlockSpec((1, 2 * dh2), lambda i: (0, 0)),
            pl.BlockSpec((2 * dh2, dout), lambda i: (0, 0)),
        ],
        out_specs=pl.BlockSpec((2, block_rows, do2), lambda i: (0, i, 0)),
        out_shape=jax.ShapeDtypeStruct((2, npad, do2), jnp.float32),
    )(acc1, cnt, b1, w2)


def _tc_final(acc2, cnt, b2, n, block_rows=2000):
    do2 = acc2.shape[2]

    def body(a_ref, cnt_ref, b_ref, out_ref):
        d = _dvec(cnt_ref[...])
        a = a_ref[...]
        full = jnp.concatenate([a[0], a[1]], axis=-1)
        out_ref[...] = full * d + b_ref[...]

    return pl.pallas_call(
        body,
        grid=(n // block_rows,),
        in_specs=[
            pl.BlockSpec((2, block_rows, do2), lambda i: (0, i, 0)),
            pl.BlockSpec((2, block_rows, 16), lambda i: (0, i, 0)),
            pl.BlockSpec((1, 2 * do2), lambda i: (0, 0)),
        ],
        out_specs=pl.BlockSpec((block_rows, 2 * do2), lambda i: (i, 0)),
        out_shape=jax.ShapeDtypeStruct((n, 2 * do2), jnp.float32),
    )(acc2, cnt, b2)


def kernel(x, edge_index, W1, b1, W2, b2):
    n, _ = x.shape
    e = edge_index.shape[1]
    dh = W1.shape[1]
    dout = W2.shape[1]
    npad = ((n + 127) // 128) * 128

    src = edge_index[0]
    dst = edge_index[1]
    src2 = jnp.concatenate([src, src + npad])

    cnt = _make_deg(npad, e)(dst).reshape(2, npad, 16)

    hs1 = _tc_scale1(x, W1, cnt, npad)
    agg1 = _make_agg(npad, e, dh // 2)(hs1.reshape(2 * npad, dh // 2),
                                       src2, dst)
    hs2 = _tc_mid(agg1.reshape(2, npad, dh // 2), cnt,
                  b1.reshape(1, dh), W2, n)
    agg2 = _make_agg(npad, e, dout // 2)(hs2.reshape(2 * npad, dout // 2),
                                         src2, dst)
    z = _tc_final(agg2.reshape(2, npad, dout // 2), cnt,
                  b2.reshape(1, dout), n)
    return z

# --- scband reference (transcript-rebuilt; emitter-appended) ---
"""Pipeline reference for scband-gaeencoder-46694884442218 (READ-ONLY COPY).

The authoritative reference and input builder live on the scoring server;
editing this copy changes nothing except your own understanding.
"""

import jax, jax.numpy as jnp
import numpy as np

N = 10000
E = 320000
D_IN = 128
D_HID = 128  # 2 * out_channels
D_OUT = 64


def setup_inputs(seed: int = 0) -> dict:
    key = jax.random.key(seed)
    ks = jax.random.split(key, 6)
    x = jax.random.normal(ks[0], (N, D_IN), dtype=jnp.float32)
    edge_index = jax.random.randint(ks[1], (2, E), 0, N, dtype=jnp.int32)
    W1 = jax.random.normal(ks[2], (D_IN, D_HID), dtype=jnp.float32) * (1.0 / np.sqrt(D_IN))
    b1 = jnp.zeros((D_HID,), dtype=jnp.float32)
    W2 = jax.random.normal(ks[3], (D_HID, D_OUT), dtype=jnp.float32) * (1.0 / np.sqrt(D_HID))
    b2 = jnp.zeros((D_OUT,), dtype=jnp.float32)
    return {"x": x, "edge_index": edge_index, "W1": W1, "b1": b1, "W2": W2, "b2": b2}


def _gcn_conv(x, edge_index, W, b):
    # Faithful PyG GCNConv: add self-loops, symmetric gcn_norm, x @ W, scatter-add aggregate at dst, + bias
    n = x.shape[0]
    src = edge_index[0]
    dst = edge_index[1]
    loop = jnp.arange(n, dtype=src.dtype)
    src = jnp.concatenate([src, loop], axis=0)
    dst = jnp.concatenate([dst, loop], axis=0)
    ew = jnp.ones(src.shape[0], dtype=x.dtype)
    deg = jnp.zeros((n,), dtype=x.dtype).at[dst].add(ew)
    deg_inv_sqrt = jnp.where(deg > 0, jax.lax.rsqrt(jnp.maximum(deg, 1e-12)), 0.0)
    norm = deg_inv_sqrt[src] * ew * deg_inv_sqrt[dst]
    h = x @ W
    msg = h[src] * norm[:, None]
    out = jnp.zeros((n, W.shape[1]), dtype=x.dtype).at[dst].add(msg)
    return out + b


def reference(x, edge_index, W1, b1, W2, b2):
    h = jax.nn.relu(_gcn_conv(x, edge_index, W1, b1))
    z = _gcn_conv(h, edge_index, W2, b2)
    return z

if __name__ == "__main__":
    import jax
    _d = setup_inputs()
    print(jax.jit(kernel)(*tuple(_d.values())))

</pallas_src>

<mosaic_0001>
#map = affine_map<(d0, d1) -> (0)>
#map1 = affine_map<(d0, d1) -> (0, 0)>
module attributes {stable_mosaic.version = 14 : i64} {
  func.func @deg(%arg0: i32, %arg1: i32, %arg2: memref<320000xi32, #tpu.memory_space<hbm>>, %arg3: memref<20224x16xf32, #tpu.memory_space<hbm>>, %arg4: memref<80xi32, #tpu.memory_space<vmem>>, %arg5: memref<80x16xf32, #tpu.memory_space<vmem>>, %arg6: memref<632x16xf32, #tpu.memory_space<vmem>>, %arg7: memref<10112x16xf32, #tpu.memory_space<vmem_shared>>) attributes {dimension_semantics = [#tpu.dimension_semantics<core_parallel>, #tpu.dimension_semantics<subcore_parallel>], iteration_bounds = array<i64: 2, 16>, scalar_prefetch = 0 : i64, scratch_operands = 4 : i64, tpu.core_type = #tpu.core_type<sc_vector_subcore>, window_params = [{transform_indices = #map}, {transform_indices = #map1}]} {
    %scan3A = arith.constant 0 : i32
    %scan3A_0 = arith.constant 0 : i32
    %scan3A_1 = arith.constant 80 : i32
    %scan3A_2 = arith.addi %scan3A_0, %scan3A_1 : i32
    %scan3A_3 = arith.constant 1 : i32
    scf.for %scan3A_21 = %scan3A_0 to %scan3A_2 step %scan3A_3  : i32 {
      %broadcast_in_dim3A = arith.constant 1.000000e+00 : f32
      %broadcast_in_dim3A_22 = vector.broadcast %broadcast_in_dim3A : f32 to vector<16xf32>
      %swap3A = arith.index_cast %scan3A_21 : i32 to index
      %swap3A_23 = arith.constant 0 : index
      %swap3A_24 = tpu.vector_load %arg5[%swap3A, %swap3A_23] {strides = array<i32>} : memref<80x16xf32, #tpu.memory_space<vmem>>, vector<1x16xf32>,
      %swap3A_25 = vector.shape_cast %swap3A_24 : vector<1x16xf32> to vector<16xf32>
      %swap3A_26 = vector.shape_cast %broadcast_in_dim3A_22 : vector<16xf32> to vector<1x16xf32>
      tpu.vector_store %arg5[%swap3A, %swap3A_23], %swap3A_26 {strides = array<i32>} : memref<80x16xf32, #tpu.memory_space<vmem>>, vector<1x16xf32>,
    }
    %scan3A_4 = arith.constant 80 : i32
    %scan3A_5 = arith.constant 0 : i32
    %scan3A_6 = arith.constant 0 : i32
    %scan3A_7 = arith.constant 632 : i32
    %scan3A_8 = arith.addi %scan3A_6, %scan3A_7 : i32
    %scan3A_9 = arith.constant 1 : i32
    scf.for %scan3A_21 = %scan3A_6 to %scan3A_8 step %scan3A_9  : i32 {
      %broadcast_in_dim3A = arith.constant 0.000000e+00 : f32
      %broadcast_in_dim3A_22 = vector.broadcast %broadcast_in_dim3A : f32 to vector<16xf32>
      %swap3A = arith.index_cast %scan3A_21 : i32 to index
      %swap3A_23 = arith.constant 0 : index
      %swap3A_24 = tpu.vector_load %arg6[%swap3A, %swap3A_23] {strides = array<i32>} : memref<632x16xf32, #tpu.memory_space<vmem>>, vector<1x16xf32>,
      %swap3A_25 = vector.shape_cast %swap3A_24 : vector<1x16xf32> to vector<16xf32>
      %swap3A_26 = vector.shape_cast %broadcast_in_dim3A_22 : vector<16xf32> to vector<1x16xf32>
      tpu.vector_store %arg6[%swap3A, %swap3A_23], %swap3A_26 {strides = array<i32>} : memref<632x16xf32, #tpu.memory_space<vmem>>, vector<1x16xf32>,
    }
    %scan3A_10 = arith.constant 632 : i32
    %mul3A = arith.constant 632 : i32
    %mul3A_11 = arith.muli %arg1, %mul3A : i32
    "tpu.region"() ({
      %run_scoped3A = tpu.sem_alloc : memref<!tpu.dma_semaphore, #tpu.memory_space<semaphore_mem>>
      %dma_start3A = arith.constant 0 : i32
      %dma_start3A_21 = tpu.memref_slice %arg7[%mul3A_11, %dma_start3A] : memref<10112x16xf32, #tpu.memory_space<vmem_shared>> -> memref<632x16xf32, #tpu.memory_space<vmem_shared>>
      %dma_start3A_22 = arith.constant 0 : i32
      %dma_start3A_23 = tpu.memref_slice %arg7[%mul3A_11, %dma_start3A_22] : memref<10112x16xf32, #tpu.memory_space<vmem_shared>> -> memref<632x16xf32, #tpu.memory_space<vmem_shared>>
      tpu.enqueue_dma source(%arg6 : memref<632x16xf32, #tpu.memory_space<vmem>>) target(%dma_start3A_23 : memref<632x16xf32, #tpu.memory_space<vmem_shared>>) target_semaphore(%run_scoped3A : memref<!tpu.dma_semaphore, #tpu.memory_space<semaphore_mem>>)
      %dma_wait3A = arith.constant 0 : i32
      %dma_wait3A_24 = tpu.memref_slice %arg7[%mul3A_11, %dma_wait3A] : memref<10112x16xf32, #tpu.memory_space<vmem_shared>> -> memref<632x16xf32, #tpu.memory_space<vmem_shared>>
      %dma_wait3A_25 = arith.constant 0 : i32
      %dma_wait3A_26 = tpu.memref_slice %arg7[%mul3A_11, %dma_wait3A_25] : memref<10112x16xf32, #tpu.memory_space<vmem_shared>> -> memref<632x16xf32, #tpu.memory_space<vmem_shared>>
      tpu.wait_dma2 semaphore(%run_scoped3A : memref<!tpu.dma_semaphore, #tpu.memory_space<semaphore_mem>>) src(%arg6 : memref<632x16xf32, #tpu.memory_space<vmem>>) dst(%dma_wait3A_26 : memref<632x16xf32, #tpu.memory_space<vmem_shared>>)
      tpu.yield
    }) : () -> ()
    %barrier3A = arith.constant 0 : index
    tpu.barrier barrier_id(%barrier3A)
    %scan3A_12 = arith.constant 0 : i32
    %scan3A_13 = arith.constant 0 : i32
    %scan3A_14 = arith.constant 125 : i32
    %scan3A_15 = arith.addi %scan3A_13, %scan3A_14 : i32
    %scan3A_16 = arith.constant 1 : i32
    scf.for %scan3A_21 = %scan3A_13 to %scan3A_15 step %scan3A_16  : i32 {
      %mul3A_22 = arith.constant 160000 : i32
      %mul3A_23 = arith.muli %arg0, %mul3A_22 : i32
      %mul3A_24 = arith.constant 10000 : i32
      %mul3A_25 = arith.muli %arg1, %mul3A_24 : i32
      %add3A_26 = arith.addi %mul3A_23, %mul3A_25 : i32
      %mul3A_27 = arith.constant 80 : i32
      %mul3A_28 = arith.muli %scan3A_21, %mul3A_27 : i32
      %add3A_29 = arith.addi %add3A_26, %mul3A_28 : i32
      "tpu.region"() ({
        %run_scoped3A = tpu.sem_alloc : memref<!tpu.dma_semaphore, #tpu.memory_space<semaphore_mem>>
        %dma_start3A = tpu.memref_slice %arg2[%add3A_29] : memref<320000xi32, #tpu.memory_space<hbm>> -> memref<80xi32, #tpu.memory_space<hbm>>
        %dma_start3A_30 = tpu.memref_slice %arg2[%add3A_29] : memref<320000xi32, #tpu.memory_space<hbm>> -> memref<80xi32, #tpu.memory_space<hbm>>
        tpu.enqueue_dma source(%dma_start3A_30 : memref<80xi32, #tpu.memory_space<hbm>>) target(%arg4 : memref<80xi32, #tpu.memory_space<vmem>>) target_semaphore(%run_scoped3A : memref<!tpu.dma_semaphore, #tpu.memory_space<semaphore_mem>>)
        %dma_wait3A = tpu.memref_slice %arg2[%add3A_29] : memref<320000xi32, #tpu.memory_space<hbm>> -> memref<80xi32, #tpu.memory_space<hbm>>
        %dma_wait3A_31 = tpu.memref_slice %arg2[%add3A_29] : memref<320000xi32, #tpu.memory_space<hbm>> -> memref<80xi32, #tpu.memory_space<hbm>>
        tpu.wait_dma2 semaphore(%run_scoped3A : memref<!tpu.dma_semaphore, #tpu.memory_space<semaphore_mem>>) src(%dma_wait3A_31 : memref<80xi32, #tpu.memory_space<hbm>>) dst(%arg4 : memref<80xi32, #tpu.memory_space<vmem>>)
        tpu.yield
      }) : () -> ()
      "tpu.region"() ({
        %run_scoped3A = tpu.sem_alloc : memref<!tpu.dma_semaphore, #tpu.memory_space<semaphore_mem>>
        %dma_start3A = arith.constant 0 : i32
        %dma_start3A_30 = arith.constant 0 : i32
        %dma_start3A_31 = tpu.memref_slice %arg7[%dma_start3A, %dma_start3A_30] : memref<10112x16xf32, #tpu.memory_space<vmem_shared>> -> memref<10112x16xf32, #tpu.memory_space<vmem_shared>>
        tpu.enqueue_indirect_dma source(%arg5 : memref<80x16xf32, #tpu.memory_space<vmem>>) target(%dma_start3A_31 : memref<10112x16xf32, #tpu.memory_space<vmem_shared>>) offsets(%arg4 : memref<80xi32, #tpu.memory_space<vmem>>) semaphore(%run_scoped3A : memref<!tpu.dma_semaphore, #tpu.memory_space<semaphore_mem>>) {add = true}
        %dma_wait3A = arith.constant 0 : i32
        %dma_wait3A_32 = arith.constant 0 : i32
        %dma_wait3A_33 = tpu.memref_slice %arg7[%dma_wait3A, %dma_wait3A_32] : memref<10112x16xf32, #tpu.memory_space<vmem_shared>> -> memref<10112x16xf32, #tpu.memory_space<vmem_shared>>
        tpu.wait_indirect_dma semaphore(%run_scoped3A : memref<!tpu.dma_semaphore, #tpu.memory_space<semaphore_mem>>) src(%arg5 : memref<80x16xf32, #tpu.memory_space<vmem>>) dst(%dma_wait3A_33 : memref<10112x16xf32, #tpu.memory_space<vmem_shared>>)
        tpu.yield
      }) : () -> ()
    }
    %scan3A_17 = arith.constant 125 : i32
    %barrier3A_18 = arith.constant 0 : index
    tpu.barrier barrier_id(%barrier3A_18)
    %mul3A_19 = arith.constant 10112 : i32
    %mul3A_20 = arith.muli %arg0, %mul3A_19 : i32
    %add3A = arith.addi %mul3A_20, %mul3A_11 : i32
    "tpu.region"() ({
      %run_scoped3A = tpu.sem_alloc : memref<!tpu.dma_semaphore, #tpu.memory_space<semaphore_mem>>
      %dma_start3A = arith.constant 0 : i32
      %dma_start3A_21 = tpu.memref_slice %arg3[%add3A, %dma_start3A] : memref<20224x16xf32, #tpu.memory_space<hbm>> -> memref<632x16xf32, #tpu.memory_space<hbm>>
      %dma_start3A_22 = arith.constant 0 : i32
      %dma_start3A_23 = tpu.memref_slice %arg7[%mul3A_11, %dma_start3A_22] : memref<10112x16xf32, #tpu.memory_space<vmem_shared>> -> memref<632x16xf32, #tpu.memory_space<vmem_shared>>
      tpu.enqueue_dma source(%dma_start3A_23 : memref<632x16xf32, #tpu.memory_space<vmem_shared>>) target(%dma_start3A_21 : memref<632x16xf32, #tpu.memory_space<hbm>>) target_semaphore(%run_scoped3A : memref<!tpu.dma_semaphore, #tpu.memory_space<semaphore_mem>>)
      %dma_wait3A = arith.constant 0 : i32
      %dma_wait3A_24 = tpu.memref_slice %arg3[%add3A, %dma_wait3A] : memref<20224x16xf32, #tpu.memory_space<hbm>> -> memref<632x16xf32, #tpu.memory_space<hbm>>
      %dma_wait3A_25 = arith.constant 0 : i32
      %dma_wait3A_26 = tpu.memref_slice %arg7[%mul3A_11, %dma_wait3A_25] : memref<10112x16xf32, #tpu.memory_space<vmem_shared>> -> memref<632x16xf32, #tpu.memory_space<vmem_shared>>
      tpu.wait_dma2 semaphore(%run_scoped3A : memref<!tpu.dma_semaphore, #tpu.memory_space<semaphore_mem>>) src(%dma_wait3A_26 : memref<632x16xf32, #tpu.memory_space<vmem_shared>>) dst(%dma_wait3A_24 : memref<632x16xf32, #tpu.memory_space<hbm>>)
      tpu.yield
    }) : () -> ()
    return
  }
}

#map = affine_map<(d0, d1) -> (0, 0)>
#map1 = affine_map<(d0, d1) -> (0)>
module attributes {stable_mosaic.version = 14 : i64} {
  func.func @agg(%arg0: i32, %arg1: i32, %arg2: memref<20224x64xf32, #tpu.memory_space<hbm>>, %arg3: memref<640000xi32, #tpu.memory_space<hbm>>, %arg4: memref<320000xi32, #tpu.memory_space<hbm>>, %arg5: memref<20224x64xf32, #tpu.memory_space<hbm>>, %arg6: memref<80xi32, #tpu.memory_space<vmem>>, %arg7: memref<80xi32, #tpu.memory_space<vmem>>, %arg8: memref<80x64xf32, #tpu.memory_space<vmem>>, %arg9: memref<10112x64xf32, #tpu.memory_space<vmem_shared>>, %arg10: memref<!tpu.dma_semaphore, #tpu.memory_space<semaphore_mem>>) attributes {dimension_semantics = [#tpu.dimension_semantics<core_parallel>, #tpu.dimension_semantics<subcore_parallel>], iteration_bounds = array<i64: 2, 16>, scalar_prefetch = 0 : i64, scratch_operands = 5 : i64, tpu.core_type = #tpu.core_type<sc_vector_subcore>, window_params = [{transform_indices = #map}, {transform_indices = #map1}, {transform_indices = #map1}, {transform_indices = #map}]} {
    %mul3A = arith.constant 632 : i32
    %mul3A_0 = arith.muli %arg1, %mul3A : i32
    %mul3A_1 = arith.constant 10112 : i32
    %mul3A_2 = arith.muli %arg0, %mul3A_1 : i32
    %add3A = arith.addi %mul3A_2, %mul3A_0 : i32
    "tpu.region"() ({
      %run_scoped3A = tpu.sem_alloc : memref<!tpu.dma_semaphore, #tpu.memory_space<semaphore_mem>>
      %dma_start3A = arith.constant 0 : i32
      %dma_start3A_12 = tpu.memref_slice %arg9[%mul3A_0, %dma_start3A] : memref<10112x64xf32, #tpu.memory_space<vmem_shared>> -> memref<632x64xf32, #tpu.memory_space<vmem_shared>>
      %dma_start3A_13 = arith.constant 0 : i32
      %dma_start3A_14 = tpu.memref_slice %arg2[%add3A, %dma_start3A_13] : memref<20224x64xf32, #tpu.memory_space<hbm>> -> memref<632x64xf32, #tpu.memory_space<hbm>>
      tpu.enqueue_dma source(%dma_start3A_14 : memref<632x64xf32, #tpu.memory_space<hbm>>) target(%dma_start3A_12 : memref<632x64xf32, #tpu.memory_space<vmem_shared>>) target_semaphore(%run_scoped3A : memref<!tpu.dma_semaphore, #tpu.memory_space<semaphore_mem>>)
      %dma_wait3A = arith.constant 0 : i32
      %dma_wait3A_15 = tpu.memref_slice %arg9[%mul3A_0, %dma_wait3A] : memref<10112x64xf32, #tpu.memory_space<vmem_shared>> -> memref<632x64xf32, #tpu.memory_space<vmem_shared>>
      %dma_wait3A_16 = arith.constant 0 : i32
      %dma_wait3A_17 = tpu.memref_slice %arg2[%add3A, %dma_wait3A_16] : memref<20224x64xf32, #tpu.memory_space<hbm>> -> memref<632x64xf32, #tpu.memory_space<hbm>>
      tpu.wait_dma2 semaphore(%run_scoped3A : memref<!tpu.dma_semaphore, #tpu.memory_space<semaphore_mem>>) src(%dma_wait3A_17 : memref<632x64xf32, #tpu.memory_space<hbm>>) dst(%dma_wait3A_15 : memref<632x64xf32, #tpu.memory_space<vmem_shared>>)
      tpu.yield
    }) : () -> ()
    %barrier3A = arith.constant 0 : index
    tpu.barrier barrier_id(%barrier3A)
    %scan3A = arith.constant 0 : i32
    %scan3A_3 = arith.constant 0 : i32
    %scan3A_4 = arith.constant 250 : i32
    %scan3A_5 = arith.addi %scan3A_3, %scan3A_4 : i32
    %scan3A_6 = arith.constant 1 : i32
    scf.for %scan3A_12 = %scan3A_3 to %scan3A_5 step %scan3A_6  : i32 {
      %mul3A_13 = arith.constant 20000 : i32
      %mul3A_14 = arith.muli %arg1, %mul3A_13 : i32
      %mul3A_15 = arith.constant 80 : i32
      %mul3A_16 = arith.muli %scan3A_12, %mul3A_15 : i32
      %add3A_17 = arith.addi %mul3A_14, %mul3A_16 : i32
      %mul3A_18 = arith.constant 320000 : i32
      %mul3A_19 = arith.muli %arg0, %mul3A_18 : i32
      %add3A_20 = arith.addi %mul3A_19, %add3A_17 : i32
      "tpu.region"() ({
        %run_scoped3A = tpu.sem_alloc : memref<!tpu.dma_semaphore, #tpu.memory_space<semaphore_mem>>
        %dma_start3A_25 = tpu.memref_slice %arg3[%add3A_20] : memref<640000xi32, #tpu.memory_space<hbm>> -> memref<80xi32, #tpu.memory_space<hbm>>
        %dma_start3A_26 = tpu.memref_slice %arg3[%add3A_20] : memref<640000xi32, #tpu.memory_space<hbm>> -> memref<80xi32, #tpu.memory_space<hbm>>
        tpu.enqueue_dma source(%dma_start3A_26 : memref<80xi32, #tpu.memory_space<hbm>>) target(%arg6 : memref<80xi32, #tpu.memory_space<vmem>>) target_semaphore(%run_scoped3A : memref<!tpu.dma_semaphore, #tpu.memory_space<semaphore_mem>>)
        %dma_wait3A_27 = tpu.memref_slice %arg3[%add3A_20] : memref<640000xi32, #tpu.memory_space<hbm>> -> memref<80xi32, #tpu.memory_space<hbm>>
        %dma_wait3A_28 = tpu.memref_slice %arg3[%add3A_20] : memref<640000xi32, #tpu.memory_space<hbm>> -> memref<80xi32, #tpu.memory_space<hbm>>
        tpu.wait_dma2 semaphore(%run_scoped3A : memref<!tpu.dma_semaphore, #tpu.memory_space<semaphore_mem>>) src(%dma_wait3A_28 : memref<80xi32, #tpu.memory_space<hbm>>) dst(%arg6 : memref<80xi32, #tpu.memory_space<vmem>>)
        tpu.yield
      }) : () -> ()
      "tpu.region"() ({
        %run_scoped3A = tpu.sem_alloc : memref<!tpu.dma_semaphore, #tpu.memory_space<semaphore_mem>>
        %dma_start3A_25 = tpu.memref_slice %arg4[%add3A_17] : memref<320000xi32, #tpu.memory_space<hbm>> -> memref<80xi32, #tpu.memory_space<hbm>>
        %dma_start3A_26 = tpu.memref_slice %arg4[%add3A_17] : memref<320000xi32, #tpu.memory_space<hbm>> -> memref<80xi32, #tpu.memory_space<hbm>>
        tpu.enqueue_dma source(%dma_start3A_26 : memref<80xi32, #tpu.memory_space<hbm>>) target(%arg7 : memref<80xi32, #tpu.memory_space<vmem>>) target_semaphore(%run_scoped3A : memref<!tpu.dma_semaphore, #tpu.memory_space<semaphore_mem>>)
        %dma_wait3A_27 = tpu.memref_slice %arg4[%add3A_17] : memref<320000xi32, #tpu.memory_space<hbm>> -> memref<80xi32, #tpu.memory_space<hbm>>
        %dma_wait3A_28 = tpu.memref_slice %arg4[%add3A_17] : memref<320000xi32, #tpu.memory_space<hbm>> -> memref<80xi32, #tpu.memory_space<hbm>>
        tpu.wait_dma2 semaphore(%run_scoped3A : memref<!tpu.dma_semaphore, #tpu.memory_space<semaphore_mem>>) src(%dma_wait3A_28 : memref<80xi32, #tpu.memory_space<hbm>>) dst(%arg7 : memref<80xi32, #tpu.memory_space<vmem>>)
        tpu.yield
      }) : () -> ()
      %dma_start3A = arith.constant 0 : i32
      %dma_start3A_21 = arith.constant 0 : i32
      %dma_start3A_22 = tpu.memref_slice %arg2[%dma_start3A, %dma_start3A_21] : memref<20224x64xf32, #tpu.memory_space<hbm>> -> memref<20224x64xf32, #tpu.memory_space<hbm>>
      tpu.enqueue_indirect_dma source(%dma_start3A_22 : memref<20224x64xf32, #tpu.memory_space<hbm>>) target(%arg8 : memref<80x64xf32, #tpu.memory_space<vmem>>) offsets(%arg6 : memref<80xi32, #tpu.memory_space<vmem>>) semaphore(%arg10 : memref<!tpu.dma_semaphore, #tpu.memory_space<semaphore_mem>>)
      %dma_wait3A = arith.constant 0 : i32
      %dma_wait3A_23 = arith.constant 0 : i32
      %dma_wait3A_24 = tpu.memref_slice %arg2[%dma_wait3A, %dma_wait3A_23] : memref<20224x64xf32, #tpu.memory_space<hbm>> -> memref<20224x64xf32, #tpu.memory_space<hbm>>
      tpu.wait_indirect_dma semaphore(%arg10 : memref<!tpu.dma_semaphore, #tpu.memory_space<semaphore_mem>>) src(%dma_wait3A_24 : memref<20224x64xf32, #tpu.memory_space<hbm>>) dst(%arg8 : memref<80x64xf32, #tpu.memory_space<vmem>>)
      "tpu.region"() ({
        %run_scoped3A = tpu.sem_alloc : memref<!tpu.dma_semaphore, #tpu.memory_space<semaphore_mem>>
        %dma_start3A_25 = arith.constant 0 : i32
        %dma_start3A_26 = arith.constant 0 : i32
        %dma_start3A_27 = tpu.memref_slice %arg9[%dma_start3A_25, %dma_start3A_26] : memref<10112x64xf32, #tpu.memory_space<vmem_shared>> -> memref<10112x64xf32, #tpu.memory_space<vmem_shared>>
        tpu.enqueue_indirect_dma source(%arg8 : memref<80x64xf32, #tpu.memory_space<vmem>>) target(%dma_start3A_27 : memref<10112x64xf32, #tpu.memory_space<vmem_shared>>) offsets(%arg7 : memref<80xi32, #tpu.memory_space<vmem>>) semaphore(%run_scoped3A : memref<!tpu.dma_semaphore, #tpu.memory_space<semaphore_mem>>) {add = true}
        %dma_wait3A_28 = arith.constant 0 : i32
        %dma_wait3A_29 = arith.constant 0 : i32
        %dma_wait3A_30 = tpu.memref_slice %arg9[%dma_wait3A_28, %dma_wait3A_29] : memref<10112x64xf32, #tpu.memory_space<vmem_shared>> -> memref<10112x64xf32, #tpu.memory_space<vmem_shared>>
        tpu.wait_indirect_dma semaphore(%run_scoped3A : memref<!tpu.dma_semaphore, #tpu.memory_space<semaphore_mem>>) src(%arg8 : memref<80x64xf32, #tpu.memory_space<vmem>>) dst(%dma_wait3A_30 : memref<10112x64xf32, #tpu.memory_space<vmem_shared>>)
        tpu.yield
      }) : () -> ()
    }
    %scan3A_7 = arith.constant 250 : i32
    %barrier3A_8 = arith.constant 0 : index
    tpu.barrier barrier_id(%barrier3A_8)
    %mul3A_9 = arith.constant 10112 : i32
    %mul3A_10 = arith.muli %arg0, %mul3A_9 : i32
    %add3A_11 = arith.addi %mul3A_10, %mul3A_0 : i32
    "tpu.region"() ({
      %run_scoped3A = tpu.sem_alloc : memref<!tpu.dma_semaphore, #tpu.memory_space<semaphore_mem>>
      %dma_start3A = arith.constant 0 : i32
      %dma_start3A_12 = tpu.memref_slice %arg5[%add3A_11, %dma_start3A] : memref<20224x64xf32, #tpu.memory_space<hbm>> -> memref<632x64xf32, #tpu.memory_space<hbm>>
      %dma_start3A_13 = arith.constant 0 : i32
      %dma_start3A_14 = tpu.memref_slice %arg9[%mul3A_0, %dma_start3A_13] : memref<10112x64xf32, #tpu.memory_space<vmem_shared>> -> memref<632x64xf32, #tpu.memory_space<vmem_shared>>
      tpu.enqueue_dma source(%dma_start3A_14 : memref<632x64xf32, #tpu.memory_space<vmem_shared>>) target(%dma_start3A_12 : memref<632x64xf32, #tpu.memory_space<hbm>>) target_semaphore(%run_scoped3A : memref<!tpu.dma_semaphore, #tpu.memory_space<semaphore_mem>>)
      %dma_wait3A = arith.constant 0 : i32
      %dma_wait3A_15 = tpu.memref_slice %arg5[%add3A_11, %dma_wait3A] : memref<20224x64xf32, #tpu.memory_space<hbm>> -> memref<632x64xf32, #tpu.memory_space<hbm>>
      %dma_wait3A_16 = arith.constant 0 : i32
      %dma_wait3A_17 = tpu.memref_slice %arg9[%mul3A_0, %dma_wait3A_16] : memref<10112x64xf32, #tpu.memory_space<vmem_shared>> -> memref<632x64xf32, #tpu.memory_space<vmem_shared>>
      tpu.wait_dma2 semaphore(%run_scoped3A : memref<!tpu.dma_semaphore, #tpu.memory_space<semaphore_mem>>) src(%dma_wait3A_17 : memref<632x64xf32, #tpu.memory_space<vmem_shared>>) dst(%dma_wait3A_15 : memref<632x64xf32, #tpu.memory_space<hbm>>)
      tpu.yield
    }) : () -> ()
    return
  }
}

#map = affine_map<(d0, d1) -> (0, 0)>
#map1 = affine_map<(d0, d1) -> (0)>
module attributes {stable_mosaic.version = 14 : i64} {
  func.func @agg(%arg0: i32, %arg1: i32, %arg2: memref<20224x32xf32, #tpu.memory_space<hbm>>, %arg3: memref<640000xi32, #tpu.memory_space<hbm>>, %arg4: memref<320000xi32, #tpu.memory_space<hbm>>, %arg5: memref<20224x32xf32, #tpu.memory_space<hbm>>, %arg6: memref<80xi32, #tpu.memory_space<vmem>>, %arg7: memref<80xi32, #tpu.memory_space<vmem>>, %arg8: memref<80x32xf32, #tpu.memory_space<vmem>>, %arg9: memref<10112x32xf32, #tpu.memory_space<vmem_shared>>, %arg10: memref<!tpu.dma_semaphore, #tpu.memory_space<semaphore_mem>>) attributes {dimension_semantics = [#tpu.dimension_semantics<core_parallel>, #tpu.dimension_semantics<subcore_parallel>], iteration_bounds = array<i64: 2, 16>, scalar_prefetch = 0 : i64, scratch_operands = 5 : i64, tpu.core_type = #tpu.core_type<sc_vector_subcore>, window_params = [{transform_indices = #map}, {transform_indices = #map1}, {transform_indices = #map1}, {transform_indices = #map}]} {
    %mul3A = arith.constant 632 : i32
    %mul3A_0 = arith.muli %arg1, %mul3A : i32
    %mul3A_1 = arith.constant 10112 : i32
    %mul3A_2 = arith.muli %arg0, %mul3A_1 : i32
    %add3A = arith.addi %mul3A_2, %mul3A_0 : i32
    "tpu.region"() ({
      %run_scoped3A = tpu.sem_alloc : memref<!tpu.dma_semaphore, #tpu.memory_space<semaphore_mem>>
      %dma_start3A = arith.constant 0 : i32
      %dma_start3A_12 = tpu.memref_slice %arg9[%mul3A_0, %dma_start3A] : memref<10112x32xf32, #tpu.memory_space<vmem_shared>> -> memref<632x32xf32, #tpu.memory_space<vmem_shared>>
      %dma_start3A_13 = arith.constant 0 : i32
      %dma_start3A_14 = tpu.memref_slice %arg2[%add3A, %dma_start3A_13] : memref<20224x32xf32, #tpu.memory_space<hbm>> -> memref<632x32xf32, #tpu.memory_space<hbm>>
      tpu.enqueue_dma source(%dma_start3A_14 : memref<632x32xf32, #tpu.memory_space<hbm>>) target(%dma_start3A_12 : memref<632x32xf32, #tpu.memory_space<vmem_shared>>) target_semaphore(%run_scoped3A : memref<!tpu.dma_semaphore, #tpu.memory_space<semaphore_mem>>)
      %dma_wait3A = arith.constant 0 : i32
      %dma_wait3A_15 = tpu.memref_slice %arg9[%mul3A_0, %dma_wait3A] : memref<10112x32xf32, #tpu.memory_space<vmem_shared>> -> memref<632x32xf32, #tpu.memory_space<vmem_shared>>
      %dma_wait3A_16 = arith.constant 0 : i32
      %dma_wait3A_17 = tpu.memref_slice %arg2[%add3A, %dma_wait3A_16] : memref<20224x32xf32, #tpu.memory_space<hbm>> -> memref<632x32xf32, #tpu.memory_space<hbm>>
      tpu.wait_dma2 semaphore(%run_scoped3A : memref<!tpu.dma_semaphore, #tpu.memory_space<semaphore_mem>>) src(%dma_wait3A_17 : memref<632x32xf32, #tpu.memory_space<hbm>>) dst(%dma_wait3A_15 : memref<632x32xf32, #tpu.memory_space<vmem_shared>>)
      tpu.yield
    }) : () -> ()
    %barrier3A = arith.constant 0 : index
    tpu.barrier barrier_id(%barrier3A)
    %scan3A = arith.constant 0 : i32
    %scan3A_3 = arith.constant 0 : i32
    %scan3A_4 = arith.constant 250 : i32
    %scan3A_5 = arith.addi %scan3A_3, %scan3A_4 : i32
    %scan3A_6 = arith.constant 1 : i32
    scf.for %scan3A_12 = %scan3A_3 to %scan3A_5 step %scan3A_6  : i32 {
      %mul3A_13 = arith.constant 20000 : i32
      %mul3A_14 = arith.muli %arg1, %mul3A_13 : i32
      %mul3A_15 = arith.constant 80 : i32
      %mul3A_16 = arith.muli %scan3A_12, %mul3A_15 : i32
      %add3A_17 = arith.addi %mul3A_14, %mul3A_16 : i32
      %mul3A_18 = arith.constant 320000 : i32
      %mul3A_19 = arith.muli %arg0, %mul3A_18 : i32
      %add3A_20 = arith.addi %mul3A_19, %add3A_17 : i32
      "tpu.region"() ({
        %run_scoped3A = tpu.sem_alloc : memref<!tpu.dma_semaphore, #tpu.memory_space<semaphore_mem>>
        %dma_start3A_25 = tpu.memref_slice %arg3[%add3A_20] : memref<640000xi32, #tpu.memory_space<hbm>> -> memref<80xi32, #tpu.memory_space<hbm>>
        %dma_start3A_26 = tpu.memref_slice %arg3[%add3A_20] : memref<640000xi32, #tpu.memory_space<hbm>> -> memref<80xi32, #tpu.memory_space<hbm>>
        tpu.enqueue_dma source(%dma_start3A_26 : memref<80xi32, #tpu.memory_space<hbm>>) target(%arg6 : memref<80xi32, #tpu.memory_space<vmem>>) target_semaphore(%run_scoped3A : memref<!tpu.dma_semaphore, #tpu.memory_space<semaphore_mem>>)
        %dma_wait3A_27 = tpu.memref_slice %arg3[%add3A_20] : memref<640000xi32, #tpu.memory_space<hbm>> -> memref<80xi32, #tpu.memory_space<hbm>>
        %dma_wait3A_28 = tpu.memref_slice %arg3[%add3A_20] : memref<640000xi32, #tpu.memory_space<hbm>> -> memref<80xi32, #tpu.memory_space<hbm>>
        tpu.wait_dma2 semaphore(%run_scoped3A : memref<!tpu.dma_semaphore, #tpu.memory_space<semaphore_mem>>) src(%dma_wait3A_28 : memref<80xi32, #tpu.memory_space<hbm>>) dst(%arg6 : memref<80xi32, #tpu.memory_space<vmem>>)
        tpu.yield
      }) : () -> ()
      "tpu.region"() ({
        %run_scoped3A = tpu.sem_alloc : memref<!tpu.dma_semaphore, #tpu.memory_space<semaphore_mem>>
        %dma_start3A_25 = tpu.memref_slice %arg4[%add3A_17] : memref<320000xi32, #tpu.memory_space<hbm>> -> memref<80xi32, #tpu.memory_space<hbm>>
        %dma_start3A_26 = tpu.memref_slice %arg4[%add3A_17] : memref<320000xi32, #tpu.memory_space<hbm>> -> memref<80xi32, #tpu.memory_space<hbm>>
        tpu.enqueue_dma source(%dma_start3A_26 : memref<80xi32, #tpu.memory_space<hbm>>) target(%arg7 : memref<80xi32, #tpu.memory_space<vmem>>) target_semaphore(%run_scoped3A : memref<!tpu.dma_semaphore, #tpu.memory_space<semaphore_mem>>)
        %dma_wait3A_27 = tpu.memref_slice %arg4[%add3A_17] : memref<320000xi32, #tpu.memory_space<hbm>> -> memref<80xi32, #tpu.memory_space<hbm>>
        %dma_wait3A_28 = tpu.memref_slice %arg4[%add3A_17] : memref<320000xi32, #tpu.memory_space<hbm>> -> memref<80xi32, #tpu.memory_space<hbm>>
        tpu.wait_dma2 semaphore(%run_scoped3A : memref<!tpu.dma_semaphore, #tpu.memory_space<semaphore_mem>>) src(%dma_wait3A_28 : memref<80xi32, #tpu.memory_space<hbm>>) dst(%arg7 : memref<80xi32, #tpu.memory_space<vmem>>)
        tpu.yield
      }) : () -> ()
      %dma_start3A = arith.constant 0 : i32
      %dma_start3A_21 = arith.constant 0 : i32
      %dma_start3A_22 = tpu.memref_slice %arg2[%dma_start3A, %dma_start3A_21] : memref<20224x32xf32, #tpu.memory_space<hbm>> -> memref<20224x32xf32, #tpu.memory_space<hbm>>
      tpu.enqueue_indirect_dma source(%dma_start3A_22 : memref<20224x32xf32, #tpu.memory_space<hbm>>) target(%arg8 : memref<80x32xf32, #tpu.memory_space<vmem>>) offsets(%arg6 : memref<80xi32, #tpu.memory_space<vmem>>) semaphore(%arg10 : memref<!tpu.dma_semaphore, #tpu.memory_space<semaphore_mem>>)
      %dma_wait3A = arith.constant 0 : i32
      %dma_wait3A_23 = arith.constant 0 : i32
      %dma_wait3A_24 = tpu.memref_slice %arg2[%dma_wait3A, %dma_wait3A_23] : memref<20224x32xf32, #tpu.memory_space<hbm>> -> memref<20224x32xf32, #tpu.memory_space<hbm>>
      tpu.wait_indirect_dma semaphore(%arg10 : memref<!tpu.dma_semaphore, #tpu.memory_space<semaphore_mem>>) src(%dma_wait3A_24 : memref<20224x32xf32, #tpu.memory_space<hbm>>) dst(%arg8 : memref<80x32xf32, #tpu.memory_space<vmem>>)
      "tpu.region"() ({
        %run_scoped3A = tpu.sem_alloc : memref<!tpu.dma_semaphore, #tpu.memory_space<semaphore_mem>>
        %dma_start3A_25 = arith.constant 0 : i32
        %dma_start3A_26 = arith.constant 0 : i32
        %dma_start3A_27 = tpu.memref_slice %arg9[%dma_start3A_25, %dma_start3A_26] : memref<10112x32xf32, #tpu.memory_space<vmem_shared>> -> memref<10112x32xf32, #tpu.memory_space<vmem_shared>>
        tpu.enqueue_indirect_dma source(%arg8 : memref<80x32xf32, #tpu.memory_space<vmem>>) target(%dma_start3A_27 : memref<10112x32xf32, #tpu.memory_space<vmem_shared>>) offsets(%arg7 : memref<80xi32, #tpu.memory_space<vmem>>) semaphore(%run_scoped3A : memref<!tpu.dma_semaphore, #tpu.memory_space<semaphore_mem>>) {add = true}
        %dma_wait3A_28 = arith.constant 0 : i32
        %dma_wait3A_29 = arith.constant 0 : i32
        %dma_wait3A_30 = tpu.memref_slice %arg9[%dma_wait3A_28, %dma_wait3A_29] : memref<10112x32xf32, #tpu.memory_space<vmem_shared>> -> memref<10112x32xf32, #tpu.memory_space<vmem_shared>>
        tpu.wait_indirect_dma semaphore(%run_scoped3A : memref<!tpu.dma_semaphore, #tpu.memory_space<semaphore_mem>>) src(%arg8 : memref<80x32xf32, #tpu.memory_space<vmem>>) dst(%dma_wait3A_30 : memref<10112x32xf32, #tpu.memory_space<vmem_shared>>)
        tpu.yield
      }) : () -> ()
    }
    %scan3A_7 = arith.constant 250 : i32
    %barrier3A_8 = arith.constant 0 : index
    tpu.barrier barrier_id(%barrier3A_8)
    %mul3A_9 = arith.constant 10112 : i32
    %mul3A_10 = arith.muli %arg0, %mul3A_9 : i32
    %add3A_11 = arith.addi %mul3A_10, %mul3A_0 : i32
    "tpu.region"() ({
      %run_scoped3A = tpu.sem_alloc : memref<!tpu.dma_semaphore, #tpu.memory_space<semaphore_mem>>
      %dma_start3A = arith.constant 0 : i32
      %dma_start3A_12 = tpu.memref_slice %arg5[%add3A_11, %dma_start3A] : memref<20224x32xf32, #tpu.memory_space<hbm>> -> memref<632x32xf32, #tpu.memory_space<hbm>>
      %dma_start3A_13 = arith.constant 0 : i32
      %dma_start3A_14 = tpu.memref_slice %arg9[%mul3A_0, %dma_start3A_13] : memref<10112x32xf32, #tpu.memory_space<vmem_shared>> -> memref<632x32xf32, #tpu.memory_space<vmem_shared>>
      tpu.enqueue_dma source(%dma_start3A_14 : memref<632x32xf32, #tpu.memory_space<vmem_shared>>) target(%dma_start3A_12 : memref<632x32xf32, #tpu.memory_space<hbm>>) target_semaphore(%run_scoped3A : memref<!tpu.dma_semaphore, #tpu.memory_space<semaphore_mem>>)
      %dma_wait3A = arith.constant 0 : i32
      %dma_wait3A_15 = tpu.memref_slice %arg5[%add3A_11, %dma_wait3A] : memref<20224x32xf32, #tpu.memory_space<hbm>> -> memref<632x32xf32, #tpu.memory_space<hbm>>
      %dma_wait3A_16 = arith.constant 0 : i32
      %dma_wait3A_17 = tpu.memref_slice %arg9[%mul3A_0, %dma_wait3A_16] : memref<10112x32xf32, #tpu.memory_space<vmem_shared>> -> memref<632x32xf32, #tpu.memory_space<vmem_shared>>
      tpu.wait_dma2 semaphore(%run_scoped3A : memref<!tpu.dma_semaphore, #tpu.memory_space<semaphore_mem>>) src(%dma_wait3A_17 : memref<632x32xf32, #tpu.memory_space<vmem_shared>>) dst(%dma_wait3A_15 : memref<632x32xf32, #tpu.memory_space<hbm>>)
      tpu.yield
    }) : () -> ()
    return
  }
}

module attributes {stable_mosaic.version = 14 : i64} {
  func.func @body(%arg0: i32, %arg1: memref<2000x128xf32, #tpu.memory_space<vmem>>, %arg2: memref<128x128xf32, #tpu.memory_space<vmem>>, %arg3: memref<2x2000x16xf32, #tpu.memory_space<vmem>>, %arg4: memref<2x2000x64xf32, #tpu.memory_space<vmem>>) attributes {dimension_semantics = [#tpu.dimension_semantics<arbitrary>], iteration_bounds = array<i64: 5>, scalar_prefetch = 0 : i64, scratch_operands = 0 : i64, tpu.core_type = #tpu.core_type<tc>, window_params = [{transform_indices = @transform_0, window_bounds = array<i64: 2000, 128>}, {pipeline_mode = #tpu.pipeline_mode<synchronous>, transform_indices = @transform_1, window_bounds = array<i64: 128, 128>}, {transform_indices = @transform_2, window_bounds = array<i64: 2, 2000, 16>}, {transform_indices = @transform_3, window_bounds = array<i64: 2, 2000, 64>}]} {
    %get3A = arith.constant 0 : index
    %get3A_0 = arith.constant 0 : index
    %get3A_1 = arith.constant 0 : index
    %get3A_2 = vector.load %arg3[%get3A, %get3A_0, %get3A_1] : memref<2x2000x16xf32, #tpu.memory_space<vmem>>, vector<2x2000x16xf32>
    %slice3A = vector.extract_strided_slice %get3A_2 {offsets = [0, 0, 0], sizes = [1, 2000, 16], strides = [1, 1, 1]} : vector<2x2000x16xf32> to vector<1x2000x16xf32>
    %squeeze3A = vector.shape_cast %slice3A : vector<1x2000x16xf32> to vector<2000x16xf32>
    %reduce_sum3A = arith.constant dense<0.000000e+00> : vector<2000xf32>
    %reduce_sum3A_3 = vector.multi_reduction <add>, %squeeze3A, %reduce_sum3A [1] : vector<2000x16xf32> to vector<2000xf32>
    %slice3A_4 = vector.extract_strided_slice %get3A_2 {offsets = [1, 0, 0], sizes = [1, 2000, 16], strides = [1, 1, 1]} : vector<2x2000x16xf32> to vector<1x2000x16xf32>
    %squeeze3A_5 = vector.shape_cast %slice3A_4 : vector<1x2000x16xf32> to vector<2000x16xf32>
    %reduce_sum3A_6 = arith.constant dense<0.000000e+00> : vector<2000xf32>
    %reduce_sum3A_7 = vector.multi_reduction <add>, %squeeze3A_5, %reduce_sum3A_6 [1] : vector<2000x16xf32> to vector<2000xf32>
    %add3A = arith.addf %reduce_sum3A_3, %reduce_sum3A_7 : vector<2000xf32>
    %mul3A = arith.constant 6.250000e-02 : f32
    %mul3A_8 = vector.broadcast %mul3A : f32 to vector<2000xf32>
    %mul3A_9 = arith.mulf %add3A, %mul3A_8 : vector<2000xf32>
    %add3A_10 = arith.constant 1.000000e+00 : f32
    %add3A_11 = vector.broadcast %add3A_10 : f32 to vector<2000xf32>
    %add3A_12 = arith.addf %add3A_11, %mul3A_9 : vector<2000xf32>
    %rsqrt3A = math.rsqrt %add3A_12 : vector<2000xf32>
    %broadcast_in_dim3A = vector.shape_cast %rsqrt3A : vector<2000xf32> to vector<2000x1xf32>
    %get3A_13 = arith.constant 0 : index
    %get3A_14 = arith.constant 0 : index
    %get3A_15 = vector.load %arg1[%get3A_13, %get3A_14] : memref<2000x128xf32, #tpu.memory_space<vmem>>, vector<2000x128xf32>
    %get3A_16 = arith.constant 0 : index
    %get3A_17 = arith.constant 0 : index
    %get3A_18 = vector.load %arg2[%get3A_16, %get3A_17] : memref<128x128xf32, #tpu.memory_space<vmem>>, vector<128x128xf32>
    %dot_general3A = arith.constant dense<0.000000e+00> : vector<2000x128xf32>
    %dot_general3A_19 = tpu.matmul %get3A_15, %get3A_18, %dot_general3A {dimension_numbers = #tpu.dot_dimension_numbers<[1], [0], [0], [1], [0, 0, 1, 1], [], []>, transpose_lhs_hint = false} : vector<2000x128xf32>, vector<128x128xf32>, vector<2000x128xf32> -> vector<2000x128xf32>
    %mul3A_20 = vector.broadcast %broadcast_in_dim3A : vector<2000x1xf32> to vector<2000x128xf32>
    %mul3A_21 = arith.mulf %dot_general3A_19, %mul3A_20 : vector<2000x128xf32>
    %slice3A_22 = vector.extract_strided_slice %mul3A_21 {offsets = [0, 0], sizes = [2000, 64], strides = [1, 1]} : vector<2000x128xf32> to vector<2000x64xf32>
    %swap3A = arith.constant 0 : index
    %swap3A_23 = arith.constant 0 : index
    %swap3A_24 = arith.constant 0 : index
    %swap3A_25 = vector.load %arg4[%swap3A, %swap3A_23, %swap3A_24] : memref<2x2000x64xf32, #tpu.memory_space<vmem>>, vector<1x2000x64xf32>
    %swap3A_26 = vector.shape_cast %swap3A_25 : vector<1x2000x64xf32> to vector<2000x64xf32>
    %swap3A_27 = vector.shape_cast %slice3A_22 : vector<2000x64xf32> to vector<1x2000x64xf32>
    tpu.vector_store %arg4[%swap3A, %swap3A_23, %swap3A_24], %swap3A_27 {strides = array<i32>} : memref<2x2000x64xf32, #tpu.memory_space<vmem>>, vector<1x2000x64xf32>,
    %slice3A_28 = vector.extract_strided_slice %mul3A_21 {offsets = [0, 64], sizes = [2000, 64], strides = [1, 1]} : vector<2000x128xf32> to vector<2000x64xf32>
    %swap3A_29 = arith.constant 1 : index
    %swap3A_30 = arith.constant 0 : index
    %swap3A_31 = arith.constant 0 : index
    %swap3A_32 = vector.load %arg4[%swap3A_29, %swap3A_30, %swap3A_31] : memref<2x2000x64xf32, #tpu.memory_space<vmem>>, vector<1x2000x64xf32>
    %swap3A_33 = vector.shape_cast %swap3A_32 : vector<1x2000x64xf32> to vector<2000x64xf32>
    %swap3A_34 = vector.shape_cast %slice3A_28 : vector<2000x64xf32> to vector<1x2000x64xf32>
    tpu.vector_store %arg4[%swap3A_29, %swap3A_30, %swap3A_31], %swap3A_34 {strides = array<i32>} : memref<2x2000x64xf32, #tpu.memory_space<vmem>>, vector<1x2000x64xf32>,
    return
  }
  func.func @transform_0(%arg0: i32) -> (i32, i32) {
    %c0_i32 = arith.constant 0 : i32
    %c0_i32_0 = arith.constant 0 : i32
    return %arg0, %c0_i32 : i32, i32
  }
  func.func @transform_1(%arg0: i32) -> (i32, i32) {
    %c0_i32 = arith.constant 0 : i32
    %c0_i32_0 = arith.constant 0 : i32
    %c0_i32_1 = arith.constant 0 : i32
    return %c0_i32, %c0_i32_0 : i32, i32
  }
  func.func @transform_2(%arg0: i32) -> (i32, i32, i32) {
    %c0_i32 = arith.constant 0 : i32
    %c0_i32_0 = arith.constant 0 : i32
    %c0_i32_1 = arith.constant 0 : i32
    return %c0_i32, %arg0, %c0_i32_0 : i32, i32, i32
  }
  func.func @transform_3(%arg0: i32) -> (i32, i32, i32) {
    %c0_i32 = arith.constant 0 : i32
    %c0_i32_0 = arith.constant 0 : i32
    %c0_i32_1 = arith.constant 0 : i32
    return %c0_i32, %arg0, %c0_i32_0 : i32, i32, i32
  }
}

module attributes {stable_mosaic.version = 14 : i64} {
  func.func @body(%arg0: i32, %arg1: memref<2x2000x64xf32, #tpu.memory_space<vmem>>, %arg2: memref<2x2000x16xf32, #tpu.memory_space<vmem>>, %arg3: memref<1x128xf32, #tpu.memory_space<vmem>>, %arg4: memref<128x64xf32, #tpu.memory_space<vmem>>, %arg5: memref<2x2000x32xf32, #tpu.memory_space<vmem>>) attributes {dimension_semantics = [#tpu.dimension_semantics<arbitrary>], iteration_bounds = array<i64: 5>, scalar_prefetch = 0 : i64, scratch_operands = 0 : i64, tpu.core_type = #tpu.core_type<tc>, window_params = [{transform_indices = @transform_0, window_bounds = array<i64: 2, 2000, 64>}, {transform_indices = @transform_1, window_bounds = array<i64: 2, 2000, 16>}, {pipeline_mode = #tpu.pipeline_mode<synchronous>, transform_indices = @transform_2, window_bounds = array<i64: 1, 128>}, {pipeline_mode = #tpu.pipeline_mode<synchronous>, transform_indices = @transform_3, window_bounds = array<i64: 128, 64>}, {transform_indices = @transform_4, window_bounds = array<i64: 2, 2000, 32>}]} {
    %get3A = arith.constant 0 : index
    %get3A_0 = arith.constant 0 : index
    %get3A_1 = arith.constant 0 : index
    %get3A_2 = vector.load %arg2[%get3A, %get3A_0, %get3A_1] : memref<2x2000x16xf32, #tpu.memory_space<vmem>>, vector<2x2000x16xf32>
    %slice3A = vector.extract_strided_slice %get3A_2 {offsets = [0, 0, 0], sizes = [1, 2000, 16], strides = [1, 1, 1]} : vector<2x2000x16xf32> to vector<1x2000x16xf32>
    %squeeze3A = vector.shape_cast %slice3A : vector<1x2000x16xf32> to vector<2000x16xf32>
    %reduce_sum3A = arith.constant dense<0.000000e+00> : vector<2000xf32>
    %reduce_sum3A_3 = vector.multi_reduction <add>, %squeeze3A, %reduce_sum3A [1] : vector<2000x16xf32> to vector<2000xf32>
    %slice3A_4 = vector.extract_strided_slice %get3A_2 {offsets = [1, 0, 0], sizes = [1, 2000, 16], strides = [1, 1, 1]} : vector<2x2000x16xf32> to vector<1x2000x16xf32>
    %squeeze3A_5 = vector.shape_cast %slice3A_4 : vector<1x2000x16xf32> to vector<2000x16xf32>
    %reduce_sum3A_6 = arith.constant dense<0.000000e+00> : vector<2000xf32>
    %reduce_sum3A_7 = vector.multi_reduction <add>, %squeeze3A_5, %reduce_sum3A_6 [1] : vector<2000x16xf32> to vector<2000xf32>
    %add3A = arith.addf %reduce_sum3A_3, %reduce_sum3A_7 : vector<2000xf32>
    %mul3A = arith.constant 6.250000e-02 : f32
    %mul3A_8 = vector.broadcast %mul3A : f32 to vector<2000xf32>
    %mul3A_9 = arith.mulf %add3A, %mul3A_8 : vector<2000xf32>
    %add3A_10 = arith.constant 1.000000e+00 : f32
    %add3A_11 = vector.broadcast %add3A_10 : f32 to vector<2000xf32>
    %add3A_12 = arith.addf %add3A_11, %mul3A_9 : vector<2000xf32>
    %rsqrt3A = math.rsqrt %add3A_12 : vector<2000xf32>
    %broadcast_in_dim3A = vector.shape_cast %rsqrt3A : vector<2000xf32> to vector<2000x1xf32>
    %get3A_13 = arith.constant 0 : index
    %get3A_14 = arith.constant 0 : index
    %get3A_15 = arith.constant 0 : index
    %get3A_16 = vector.load %arg1[%get3A_13, %get3A_14, %get3A_15] : memref<2x2000x64xf32, #tpu.memory_space<vmem>>, vector<2x2000x64xf32>
    %slice3A_17 = vector.extract_strided_slice %get3A_16 {offsets = [0, 0, 0], sizes = [1, 2000, 64], strides = [1, 1, 1]} : vector<2x2000x64xf32> to vector<1x2000x64xf32>
    %squeeze3A_18 = vector.shape_cast %slice3A_17 : vector<1x2000x64xf32> to vector<2000x64xf32>
    %slice3A_19 = vector.extract_strided_slice %get3A_16 {offsets = [1, 0, 0], sizes = [1, 2000, 64], strides = [1, 1, 1]} : vector<2x2000x64xf32> to vector<1x2000x64xf32>
    %squeeze3A_20 = vector.shape_cast %slice3A_19 : vector<1x2000x64xf32> to vector<2000x64xf32>
    %concatenate3A = tpu.concatenate %squeeze3A_18, %squeeze3A_20 in 1 : vector<2000x64xf32>, vector<2000x64xf32> -> vector<2000x128xf32>
    %mul3A_21 = vector.broadcast %broadcast_in_dim3A : vector<2000x1xf32> to vector<2000x128xf32>
    %mul3A_22 = arith.mulf %concatenate3A, %mul3A_21 : vector<2000x128xf32>
    %get3A_23 = arith.constant 0 : index
    %get3A_24 = arith.constant 0 : index
    %get3A_25 = vector.load %arg3[%get3A_23, %get3A_24] : memref<1x128xf32, #tpu.memory_space<vmem>>, vector<1x128xf32>
    %add3A_26 = vector.broadcast %get3A_25 : vector<1x128xf32> to vector<2000x128xf32>
    %add3A_27 = arith.addf %mul3A_22, %add3A_26 : vector<2000x128xf32>
    %max3A = arith.constant 0.000000e+00 : f32
    %max3A_28 = vector.broadcast %max3A : f32 to vector<2000x128xf32>
    %max3A_29 = arith.maximumf %add3A_27, %max3A_28 : vector<2000x128xf32>
    %get3A_30 = arith.constant 0 : index
    %get3A_31 = arith.constant 0 : index
    %get3A_32 = vector.load %arg4[%get3A_30, %get3A_31] : memref<128x64xf32, #tpu.memory_space<vmem>>, vector<128x64xf32>
    %dot_general3A = arith.constant dense<0.000000e+00> : vector<2000x64xf32>
    %dot_general3A_33 = tpu.matmul %max3A_29, %get3A_32, %dot_general3A {dimension_numbers = #tpu.dot_dimension_numbers<[1], [0], [0], [1], [0, 0, 1, 1], [], []>, transpose_lhs_hint = false} : vector<2000x128xf32>, vector<128x64xf32>, vector<2000x64xf32> -> vector<2000x64xf32>
    %mul3A_34 = vector.broadcast %broadcast_in_dim3A : vector<2000x1xf32> to vector<2000x64xf32>
    %mul3A_35 = arith.mulf %dot_general3A_33, %mul3A_34 : vector<2000x64xf32>
    %slice3A_36 = vector.extract_strided_slice %mul3A_35 {offsets = [0, 0], sizes = [2000, 32], strides = [1, 1]} : vector<2000x64xf32> to vector<2000x32xf32>
    %swap3A = arith.constant 0 : index
    %swap3A_37 = arith.constant 0 : index
    %swap3A_38 = arith.constant 0 : index
    %swap3A_39 = vector.load %arg5[%swap3A, %swap3A_37, %swap3A_38] : memref<2x2000x32xf32, #tpu.memory_space<vmem>>, vector<1x2000x32xf32>
    %swap3A_40 = vector.shape_cast %swap3A_39 : vector<1x2000x32xf32> to vector<2000x32xf32>
    %swap3A_41 = vector.shape_cast %slice3A_36 : vector<2000x32xf32> to vector<1x2000x32xf32>
    tpu.vector_store %arg5[%swap3A, %swap3A_37, %swap3A_38], %swap3A_41 {strides = array<i32>} : memref<2x2000x32xf32, #tpu.memory_space<vmem>>, vector<1x2000x32xf32>,
    %slice3A_42 = vector.extract_strided_slice %mul3A_35 {offsets = [0, 32], sizes = [2000, 32], strides = [1, 1]} : vector<2000x64xf32> to vector<2000x32xf32>
    %swap3A_43 = arith.constant 1 : index
    %swap3A_44 = arith.constant 0 : index
    %swap3A_45 = arith.constant 0 : index
    %swap3A_46 = vector.load %arg5[%swap3A_43, %swap3A_44, %swap3A_45] : memref<2x2000x32xf32, #tpu.memory_space<vmem>>, vector<1x2000x32xf32>
    %swap3A_47 = vector.shape_cast %swap3A_46 : vector<1x2000x32xf32> to vector<2000x32xf32>
    %swap3A_48 = vector.shape_cast %slice3A_42 : vector<2000x32xf32> to vector<1x2000x32xf32>
    tpu.vector_store %arg5[%swap3A_43, %swap3A_44, %swap3A_45], %swap3A_48 {strides = array<i32>} : memref<2x2000x32xf32, #tpu.memory_space<vmem>>, vector<1x2000x32xf32>,
    return
  }
  func.func @transform_0(%arg0: i32) -> (i32, i32, i32) {
    %c0_i32 = arith.constant 0 : i32
    %c0_i32_0 = arith.constant 0 : i32
    %c0_i32_1 = arith.constant 0 : i32
    return %c0_i32, %arg0, %c0_i32_0 : i32, i32, i32
  }
  func.func @transform_1(%arg0: i32) -> (i32, i32, i32) {
    %c0_i32 = arith.constant 0 : i32
    %c0_i32_0 = arith.constant 0 : i32
    %c0_i32_1 = arith.constant 0 : i32
    return %c0_i32, %arg0, %c0_i32_0 : i32, i32, i32
  }
  func.func @transform_2(%arg0: i32) -> (i32, i32) {
    %c0_i32 = arith.constant 0 : i32
    %c0_i32_0 = arith.constant 0 : i32
    %c0_i32_1 = arith.constant 0 : i32
    return %c0_i32, %c0_i32_0 : i32, i32
  }
  func.func @transform_3(%arg0: i32) -> (i32, i32) {
    %c0_i32 = arith.constant 0 : i32
    %c0_i32_0 = arith.constant 0 : i32
    %c0_i32_1 = arith.constant 0 : i32
    return %c0_i32, %c0_i32_0 : i32, i32
  }
  func.func @transform_4(%arg0: i32) -> (i32, i32, i32) {
    %c0_i32 = arith.constant 0 : i32
    %c0_i32_0 = arith.constant 0 : i32
    %c0_i32_1 = arith.constant 0 : i32
    return %c0_i32, %arg0, %c0_i32_0 : i32, i32, i32
  }
}

module attributes {stable_mosaic.version = 14 : i64} {
  func.func @body(%arg0: i32, %arg1: memref<2x2000x32xf32, #tpu.memory_space<vmem>>, %arg2: memref<2x2000x16xf32, #tpu.memory_space<vmem>>, %arg3: memref<1x64xf32, #tpu.memory_space<vmem>>, %arg4: memref<2000x64xf32, #tpu.memory_space<vmem>>) attributes {dimension_semantics = [#tpu.dimension_semantics<arbitrary>], iteration_bounds = array<i64: 5>, scalar_prefetch = 0 : i64, scratch_operands = 0 : i64, tpu.core_type = #tpu.core_type<tc>, window_params = [{transform_indices = @transform_0, window_bounds = array<i64: 2, 2000, 32>}, {transform_indices = @transform_1, window_bounds = array<i64: 2, 2000, 16>}, {pipeline_mode = #tpu.pipeline_mode<synchronous>, transform_indices = @transform_2, window_bounds = array<i64: 1, 64>}, {transform_indices = @transform_3, window_bounds = array<i64: 2000, 64>}]} {
    %get3A = arith.constant 0 : index
    %get3A_0 = arith.constant 0 : index
    %get3A_1 = arith.constant 0 : index
    %get3A_2 = vector.load %arg2[%get3A, %get3A_0, %get3A_1] : memref<2x2000x16xf32, #tpu.memory_space<vmem>>, vector<2x2000x16xf32>
    %slice3A = vector.extract_strided_slice %get3A_2 {offsets = [0, 0, 0], sizes = [1, 2000, 16], strides = [1, 1, 1]} : vector<2x2000x16xf32> to vector<1x2000x16xf32>
    %squeeze3A = vector.shape_cast %slice3A : vector<1x2000x16xf32> to vector<2000x16xf32>
    %reduce_sum3A = arith.constant dense<0.000000e+00> : vector<2000xf32>
    %reduce_sum3A_3 = vector.multi_reduction <add>, %squeeze3A, %reduce_sum3A [1] : vector<2000x16xf32> to vector<2000xf32>
    %slice3A_4 = vector.extract_strided_slice %get3A_2 {offsets = [1, 0, 0], sizes = [1, 2000, 16], strides = [1, 1, 1]} : vector<2x2000x16xf32> to vector<1x2000x16xf32>
    %squeeze3A_5 = vector.shape_cast %slice3A_4 : vector<1x2000x16xf32> to vector<2000x16xf32>
    %reduce_sum3A_6 = arith.constant dense<0.000000e+00> : vector<2000xf32>
    %reduce_sum3A_7 = vector.multi_reduction <add>, %squeeze3A_5, %reduce_sum3A_6 [1] : vector<2000x16xf32> to vector<2000xf32>
    %add3A = arith.addf %reduce_sum3A_3, %reduce_sum3A_7 : vector<2000xf32>
    %mul3A = arith.constant 6.250000e-02 : f32
    %mul3A_8 = vector.broadcast %mul3A : f32 to vector<2000xf32>
    %mul3A_9 = arith.mulf %add3A, %mul3A_8 : vector<2000xf32>
    %add3A_10 = arith.constant 1.000000e+00 : f32
    %add3A_11 = vector.broadcast %add3A_10 : f32 to vector<2000xf32>
    %add3A_12 = arith.addf %add3A_11, %mul3A_9 : vector<2000xf32>
    %rsqrt3A = math.rsqrt %add3A_12 : vector<2000xf32>
    %broadcast_in_dim3A = vector.shape_cast %rsqrt3A : vector<2000xf32> to vector<2000x1xf32>
    %get3A_13 = arith.constant 0 : index
    %get3A_14 = arith.constant 0 : index
    %get3A_15 = arith.constant 0 : index
    %get3A_16 = vector.load %arg1[%get3A_13, %get3A_14, %get3A_15] : memref<2x2000x32xf32, #tpu.memory_space<vmem>>, vector<2x2000x32xf32>
    %slice3A_17 = vector.extract_strided_slice %get3A_16 {offsets = [0, 0, 0], sizes = [1, 2000, 32], strides = [1, 1, 1]} : vector<2x2000x32xf32> to vector<1x2000x32xf32>
    %squeeze3A_18 = vector.shape_cast %slice3A_17 : vector<1x2000x32xf32> to vector<2000x32xf32>
    %slice3A_19 = vector.extract_strided_slice %get3A_16 {offsets = [1, 0, 0], sizes = [1, 2000, 32], strides = [1, 1, 1]} : vector<2x2000x32xf32> to vector<1x2000x32xf32>
    %squeeze3A_20 = vector.shape_cast %slice3A_19 : vector<1x2000x32xf32> to vector<2000x32xf32>
    %concatenate3A = tpu.concatenate %squeeze3A_18, %squeeze3A_20 in 1 : vector<2000x32xf32>, vector<2000x32xf32> -> vector<2000x64xf32>
    %mul3A_21 = vector.broadcast %broadcast_in_dim3A : vector<2000x1xf32> to vector<2000x64xf32>
    %mul3A_22 = arith.mulf %concatenate3A, %mul3A_21 : vector<2000x64xf32>
    %get3A_23 = arith.constant 0 : index
    %get3A_24 = arith.constant 0 : index
    %get3A_25 = vector.load %arg3[%get3A_23, %get3A_24] : memref<1x64xf32, #tpu.memory_space<vmem>>, vector<1x64xf32>
    %add3A_26 = vector.broadcast %get3A_25 : vector<1x64xf32> to vector<2000x64xf32>
    %add3A_27 = arith.addf %mul3A_22, %add3A_26 : vector<2000x64xf32>
    %swap3A = arith.constant 0 : index
    %swap3A_28 = arith.constant 0 : index
    %swap3A_29 = vector.load %arg4[%swap3A, %swap3A_28] : memref<2000x64xf32, #tpu.memory_space<vmem>>, vector<2000x64xf32>
    tpu.vector_store %arg4[%swap3A, %swap3A_28], %add3A_27 {strides = array<i32>} : memref<2000x64xf32, #tpu.memory_space<vmem>>, vector<2000x64xf32>,
    return
  }
  func.func @transform_0(%arg0: i32) -> (i32, i32, i32) {
    %c0_i32 = arith.constant 0 : i32
    %c0_i32_0 = arith.constant 0 : i32
    %c0_i32_1 = arith.constant 0 : i32
    return %c0_i32, %arg0, %c0_i32_0 : i32, i32, i32
  }
  func.func @transform_1(%arg0: i32) -> (i32, i32, i32) {
    %c0_i32 = arith.constant 0 : i32
    %c0_i32_0 = arith.constant 0 : i32
    %c0_i32_1 = arith.constant 0 : i32
    return %c0_i32, %arg0, %c0_i32_0 : i32, i32, i32
  }
  func.func @transform_2(%arg0: i32) -> (i32, i32) {
    %c0_i32 = arith.constant 0 : i32
    %c0_i32_0 = arith.constant 0 : i32
    %c0_i32_1 = arith.constant 0 : i32
    return %c0_i32, %c0_i32_0 : i32, i32
  }
  func.func @transform_3(%arg0: i32) -> (i32, i32) {
    %c0_i32 = arith.constant 0 : i32
    %c0_i32_0 = arith.constant 0 : i32
    return %arg0, %c0_i32 : i32, i32
  }
}

</mosaic_0001>

<sc_bundles>
// kernel: kernel.11.cloned.1.call-start
scs
__scs_entry_jumppad:
0x0: {  	(pc) =	sbr.rel $0x88, $3  }
0x1: {  	(tag) =	ssettag $0x0;
	lr =	simm.s32 $0x1  }
0x2: {  	[smem:$0x3F9B] =	sst lr;
	_ =	strace $0xD0000000  }
0x3: {  	_ = 	snop  }
0x4: {  	_ = 	snop  }
0x5: {  	_ = 	snop  }
0x6: {  	_ = 	snop  }
0x7: {  	_ = 	snop  }
__scs_overlays_trampoline_lowered:
0x8: {  	[smem:$0x3FAA] =	sst s0  }
0x9: {  	[smem:$0x3FAB] =	sst s1  }
0xa: {  	[smem:$0x3FAC] =	sst s2  }
0xb: {  	[smem:$0x3FAD] =	sst s3  }
0xc: {  	[smem:$0x3FAE] =	sst s4  }
0xd: {  	[smem:$0x3FAF] =	sst s5  }
0xe: {  	[smem:$0x3FB0] =	sst s6  }
0xf: {  	[smem:$0x3FB1] =	sst s7  }
0x10: {  	[smem:$0x3FB2] =	sst s8  }
0x11: {  	[smem:$0x3FB3] =	sst s9;
	s0 =	simm.s32 @!p0 $0x0  }
0x12: {  	s1 =	sld [smem:$0x3F99];
	s0 =	simm.s32 @p0 $0x1  }
0x13: {  	[smem:$0x3FB4] =	sst s0;
	s0 =	simm.s32 @!p1 $0x0  }
0x14: {  	s2 =	sld [smem:$0x3F98];
	s0 =	simm.s32 @p1 $0x1  }
0x15: {  	[smem:$0x3FB5] =	sst s0;
	s0 =	simm.s32 @!p2 $0x0  }
0x16: {  	s3 =	sld [smem:$0x3FDB];
	s0 =	simm.s32 @p2 $0x1  }
0x17: {  	s4 =	simm.s32 $0x1BF5;
	[smem:$0x3FB7] =	sst s0  }
0x18: {  	s0 =	sld [smem:$0x3F9A];
	_ =	swait.ge [sflag:s4], $0x0  }
0x19: {  	s7 =	sld [smem:$0x3F9B]  }
0x1a: {  	s8 =	sadd.s32 $0xFFFFE003, lr  }
0x1b: {  	s9 =	sadd.s32 $0xFFFFFEF7, lr;
	s5 =	simm.s32 $0xFFFFFFFF;
	p2 =	slt.u32 s8, $0xFFFFF086  }
0x1c: {  	p1 =	slt.u32 s9, $0xF7A;
	s5 =	simm.s32 @!p2 $0x0  }
0x1d: {  	s5 =	simm.s32 @p1 $0x1;
	p0 =	seq.s32 s7, s2  }
0x1e: {  	s7 =	smul.u32 @!p0 $0xF7A, s2;
	p2 =	seq.s32 @!p0 s5, $0x0  }
0x1f: {  	s9 =	smul.u32 $0xF7A, s1;
	s8 =	simm.s32 @!p0 $0x1BF5;
	p2 =	por !p2, p0  }
0x20: {  	[sflag:s8] =	ssyncset.s32 @!p0 $0xFFFFF086;
	s6 =	sadd.s32 @!p0 s3, s7;
	s7 =	simm.s32 @!p0 $0x108  }
0x21: {  	s3 =	sadd.s32 s3, s9;
	s6 =	sadd.s32 @!p0 $0x88, s6;
	s7 =	simm.s32 @p2 $0x1082  }
0x22: {  	[simem:s7], [sflag:s8] =	dma.local @!p0 [hbm:s6], $0xF7A  }
0x23: {  	s9 =	sor.u32 $0xD0000000, s2;
	s6 =	simm.s32 $0x108;
	_ =	swait.ge @!p0 [sflag:s8], $0x0  }
0x24: {  	s3 =	sadd.s32 $0x88, s3;
	s6 =	simm.s32 @!p1 $0x1082;
	[sflag:s4] =	ssyncset.s32 $0xFFFFF086  }
0x25: {  	[simem:s6], [sflag:s4] =	dma.local [hbm:s3], $0xF7A  }
0x26: {  	[smem:$0x3F9B] =	sst s1;
	(tag) =	ssettag s2;
	_ =	strace s9  }
0x27: {  	s1 =	sld [smem:$0x3FAB]  }
0x28: {  	s2 =	sld [smem:$0x3FAC]  }
0x29: {  	s4 =	sld [smem:$0x3FAE]  }
0x2a: {  	p0 =	seq.s32 s5, $0x0;
	s5 =	sld [smem:$0x3FAF]  }
0x2b: {  	s6 =	sld [smem:$0x3FB0]  }
0x2c: {  	s7 =	sld [smem:$0x3FB1]  }
0x2d: {  	s3 =	simm.s32 $0x108;
	s8 =	sld [smem:$0x3FB2]  }
0x2e: {  	s3 =	simm.s32 @!p0 $0x1082;
	s9 =	sld [smem:$0x3FB3]  }
0x2f: {  	lr =	sadd.s32 s0, s3;
	s0 =	sld [smem:$0x3FAA]  }
0x30: {  	s3 =	sld [smem:$0x3FAD]  }
0x31: {  	[smem:$0x3FB6] =	sst s10  }
0x32: {  	s10 =	sld [smem:$0x3FB4];
	_ =	sdelay $0x3  }
0x33: {  	p0 =	seq.s32 s10, $0x1;
	s10 =	sld [smem:$0x3FB6];
	_ =	sdelay $0x3  }
0x34: {  	[smem:$0x3FB6] =	sst s10  }
0x35: {  	s10 =	sld [smem:$0x3FB5];
	_ =	sdelay $0x3  }
0x36: {  	p1 =	seq.s32 s10, $0x1;
	s10 =	sld [smem:$0x3FB6];
	_ =	sdelay $0x3  }
0x37: {  	[smem:$0x3FB6] =	sst s10  }
0x38: {  	s10 =	sld [smem:$0x3FB7]  }
0x39: {  	_ = 	snop;
	(pc) =	sbr.ind lr, $3  }
0x3a: {  	_ = 	snop  }
0x3b: {  	_ = 	snop  }
0x3c: {  	p2 =	seq.s32 s10, $0x1;
	s10 =	sld [smem:$0x3FB6]  }
0x3d: {  	_ =	shalt  }
0x3e: {  	_ =	shalt  }
0x3f: {  	_ =	shalt  }
0x40: {  	_ =	shalt  }
0x41: {  	_ =	shalt  }
0x42: {  	_ =	shalt  }
0x43: {  	_ =	shalt  }
0x44: {  	_ =	shalt  }
0x45: {  	_ =	shalt  }
0x46: {  	_ =	shalt  }
0x47: {  	_ =	shalt  }
0x48: {  	_ =	shalt  }
0x49: {  	_ =	shalt  }
0x4a: {  	_ =	shalt  }
0x4b: {  	_ =	shalt  }
0x4c: {  	_ =	shalt  }
0x4d: {  	_ =	shalt  }
0x4e: {  	_ =	shalt  }
0x4f: {  	_ =	shalt  }
0x50: {  	_ =	shalt  }
0x51: {  	_ =	shalt  }
0x52: {  	_ =	shalt  }
0x53: {  	_ =	shalt  }
0x54: {  	_ =	shalt  }
0x55: {  	_ =	shalt  }
0x56: {  	_ =	shalt  }
0x57: {  	_ =	shalt  }
0x58: {  	_ =	shalt  }
0x59: {  	_ =	shalt  }
0x5a: {  	_ =	shalt  }
0x5b: {  	_ =	shalt  }
0x5c: {  	_ =	shalt  }
0x5d: {  	_ =	shalt  }
0x5e: {  	_ =	shalt  }
0x5f: {  	_ =	shalt  }
0x60: {  	_ =	shalt  }
0x61: {  	_ =	shalt  }
0x62: {  	_ =	shalt  }
0x63: {  	_ =	shalt  }
0x64: {  	_ =	shalt  }
0x65: {  	_ =	shalt  }
0x66: {  	_ =	shalt  }
0x67: {  	_ =	shalt  }
0x68: {  	_ =	shalt  }
0x69: {  	_ =	shalt  }
0x6a: {  	_ =	shalt  }
0x6b: {  	_ =	shalt  }
0x6c: {  	_ =	shalt  }
0x6d: {  	_ =	shalt  }
0x6e: {  	_ =	shalt  }
0x6f: {  	_ =	shalt  }
0x70: {  	_ =	shalt  }
0x71: {  	_ =	shalt  }
0x72: {  	_ =	shalt  }
0x73: {  	_ =	shalt  }
0x74: {  	_ =	shalt  }
0x75: {  	_ =	shalt  }
0x76: {  	_ =	shalt  }
0x77: {  	_ =	shalt  }
0x78: {  	_ =	shalt  }
0x79: {  	_ =	shalt  }
0x7a: {  	_ =	shalt  }
0x7b: {  	_ =	shalt  }
0x7c: {  	_ =	shalt  }
0x7d: {  	_ =	shalt  }
0x7e: {  	_ =	shalt  }
0x7f: {  	_ =	shalt  }
0x80: {  	_ =	shalt  }
0x81: {  	_ =	shalt  }
0x82: {  	_ =	shalt  }
0x83: {  	_ =	shalt  }
0x84: {  	_ =	shalt  }
0x85: {  	_ =	shalt  }
0x86: {  	_ =	shalt  }
0x87: {  	_ =	shalt  }
.Lfunc_end0:
.L_simem_size_0:
called_computation.1_lowered:
.L_overlay_start_0:
0x88: {  	s2 =	sld [smem:$0x3FD9]  }
0x89: {  	s3 =	sld [smem:$0x3FFE];
	_ =	sdelay $0x1  }
0x8a: {  	s1 =	srdreg.scid  }
0x8b: {  	s0 =	sand.u32 $0x1, s1  }
0x8c: {  	s16 =	sshll.u32 s0, $0xA;
	s2 =	sadd.s32 s3, s2  }
0x8d: {  	s2 =	sadd.s32 s2, s16  }
0x8e: {  	[smem:$0x3FC2] =	sst s2  }
0x8f: {  	_ = 	snop  }
0x90: {  	(tm) =	ssettm $0x1  }
0x91: {  	s17 =	sld [smem:$0x3FFB];
	_ =	sdelay $0x3  }
0x92: {  	_ =	strace s17  }
0x93: {  	s2 =	sld [smem:$0x3FFC];
	_ =	sdelay $0x3  }
0x94: {  	_ =	strace s2  }
0x95: {  	s2 =	sld [smem:$0x3FFD];
	_ =	sdelay $0x3  }
0x96: {  	_ =	strace s2  }
0x97: {  	_ =	strace $0x8FFFFFFF  }
0x98: {  	s18 =	sld [smem:$0x3FDB];
	_ =	sdelay $0x1  }
0x99: {  	s19 =	simm.s32 $_scs_section_size  }
0x9a: {  	s4 =	simm.s32 $_size__tile_overlayer_lowered;
	s5 =	simm.s32 $_tile_overlayer_lowered  }
0x9b: {  	s22 =	simm.s32 $0x1BFF;
	s21 =	sshll.u32 s5, $0x1;
	s2 =	sadd.s32 s19, s18  }
0x9c: {  	s6 =	simm.s32 $0x0;
	s20 =	sshll.u32 s4, $0x1;
	s4 =	sadd.s32 s21, s2  }
0x9d: {  	[timem:s6], [sflag:s22] =	dma.local [hbm:s4], s20  }
0x9e: {  	_ =	swait.ge [sflag:s22], s20  }
0x9f: {  	s3 =	ssub.s32 $0x0, s20;
	[sflag:s22] =	ssyncset.done $0x0  }
0xa0: {  	[sflag:s22] =	ssyncadd.s32 s3;
	_ =	sdelay $0x1  }
0xa1: {  	s23 =	simm.s32 $0x1B8B  }
0xa2: {  	_ =	swait.ge [sflag:s23], $0x1  }
0xa3: {  	[sflag:s23] =	ssyncset.done $0x0  }
0xa4: {  	s25 =	simm.s32 $0x1B8E;
	s24 =	sld [smem:$0x3FFE];
	[sflag:s23] =	ssyncadd.s32 $0xFFFFFFFF  }
0xa5: {  	s26 =	simm.s32 $execute0_lowered;
	[smem:$0x3FD2] =	sst s25  }
0xa6: {  	s4 =	sshll.u32 s26, $0x1;
	_ =	strace $0x80000049;
	[dreg:$0x1] =	wrdreg $0xFFFFFFFF  }
0xa7: {  	s28 =	simm.s32 $_size_execute0_lowered;
	s2 =	sadd.s32 s2, s4;
	[dreg:$0x0] =	wrdreg $0x0  }
0xa8: {  	s4 =	sshll.u32 s28, $0x1;
	[dreg:$0x2] =	wrdreg s2  }
0xa9: {  	[dreg:$0x3] =	wrdreg s4  }
0xaa: {  	[dreg:$0x4] =	wrdreg $0xC0  }
0xab: {  	_ =	task [dreg:s6], $0x5FFFF  }
0xac: {  	[dreg:$0x1] =	wrdreg $0xFFFFFFFF  }
0xad: {  	[dreg:$0x0] =	wrdreg $0x60  }
0xae: {  	[dreg:$0x2] =	wrdreg s24  }
0xaf: {  	[dreg:$0x3] =	wrdreg $0x14A00  }
0xb0: {  	[dreg:$0x4] =	wrdreg $0x9  }
0xb1: {  	_ =	task.clear_ibuf [dreg:s6], $0x5FFFF;
	_ =	strace $0x90000049  }
0xb2: {  	s29 =	simm.s32 $0x9;
	_ =	strace $0x8000004B  }
0xb3: {  	_ =	swait.ge [sflag:s29], $0x1  }
0xb4: {  	[sflag:s29] =	ssyncadd.s32 $0xFFFFFFFF  }
0xb5: {  	_ =	strace $0x9000004B  }
0xb6: {  	_ =	sfence  }
0xb7: {  	s30 =	sld [smem:$0x0];
	_ =	sdelay $0x2  }
0xb8: {  	s31 =	sshll.u32 s1, $0xD;
	s1 =	sshrl.u32 s1, $0x2  }
0xb9: {  	s3 =	sand.u32 $0x4000, s31;
	s1 =	sadd.s32 s1, s30  }
0xba: {  	s0 =	sor.u32 s3, s0;
	s1 =	sshll.u32 s1, $0x11  }
0xbb: {  	s0 =	sor.u32 s1, s0  }
0xbc: {  	s0 =	sadd.s32 $0x8F2B, s0  }
0xbd: {  	[sflag:s0] =	ssyncadd.remote.s32 $0x1  }
0xbe: {  	_ =	sfence.sel $0xFFFF  }
0xbf: {  	[dreg:$0x0] =	wrdreg $0xFFFFFFFF;
	(pc) =	sbr.abs _section_cstart, $3  }
0xc0: {  	[dreg:$0x1] =	wrdreg $0xFFFFFFFF  }
0xc1: {  	_ =	task.clear_ibuf [dreg:s6], $0x2FFFF;
	_ =	strace $0x9FFFFFFF  }
0xc2: {  	(tm) =	ssettm $0x7FFFFFFF  }
0xc3: {  	_ =	shalt  }
tec
execute0_lowered:
.L_overlay_start_1:
0x0: {  	(tag) =	ssettag $0x1  }
0x1: {  	s5 =	rddreg [dreg:$0x0]  }
0x2: {  	s1 =	srdreg.scid;
	s0 =	stileid.u32  }
0x3: {  	s2 =	rddreg [dreg:$0x1];
	s4 =	smul.u32 $0x4E20, s0  }
0x4: {  	s3 =	simm.s32 $0x0;
	s14 =	simm.s32 $0xA0;
	s9 =	smul.u32 $0x278, s0  }
0x5: {  	s15 =	simm.s32 $0x1;
	s16 =	simm.s32 $0x0;
	s10 =	smul.u32 $0x9C4, s0  }
0x6: {  	s6 =	sand.u32 $0x1, s1;
	s1 =	rddreg [dreg:$0x2];
	s26 =	smul.u32 $0x27800, s0  }
0x7: {  	[smem:$0x7FF] =	sst s3;
	s31 =	sshll.u32 s0, $0x6;
	s7 =	smul.u32 $0x4E200, s6  }
0x8: {  	s8 =	smul.u32 $0x2780, s6;
	_ =	strace $0x8000004A;
	s6 =	ssub.s32 $0x2, s6  }
0x9: {  	s28 =	sadd.s32 s10, s5;
	s30 =	sshrl.u32 s6, $0x1;
	s7 =	sadd.s32 s4, s7  }
0xa: {  	s4 =	sadd.s32 $0x6DC00, s5;
	s25 =	sadd.s32 s9, s8;
	s8 =	sshrl.u32 s26, $0x2  }
0xb: {  	s12 =	ssub.s32 s6, s30;
	s6 =	sor.u32 $0x1C02, s31;
	s9 =	sadd.s32 $0x1400, s28  }
0xc: {  	s7 =	sshrl.u32 s7, $0x3;
	s13 =	sadd.s32 s8, s2;
	s8 =	smax.u32 s12, $0x1  }
0xd: {  	s12 =	simm.s32 $0x2;
	s11 =	sadd.s32 s7, s5;
	s7 =	sshll.u32 s25, $0x3  }
0xe: {  	s29 =	sadd.s32 s7, s5;
	s5 =	sadd.s32 s4, s7;
	s10 =	sadd.s32 $0xB200, s11  }
0xf: {  	s11 =	sshrl.u32 s13, $0x3;
	s13 =	simm.s32 $0x50;
	s7 =	sadd.s32 $0x95400, s29  }
.LBB2_1:
0x10: {  	[spmem:s11], [sflag:s6] =	dma.local [hbm:s5], $0x13C0  }
0x11: {  	_ =	swait.ge [sflag:s12], $0x13C0  }
0x12: {  	[sflag:s12] =	ssyncset.done $0x0  }
0x13: {  	[sflag:s12] =	ssyncadd.s32 $0xFFFFEC40  }
0x14: {  	s17 =	sadd.s32 $0x0, s10;
	[bflag:$0x0] =	sbarrier.arrive $0xFFFF  }
0x15: {  	[tilespmem:s3], [sflag:$0x2] =	stream.linear.gather [hbm4b:s17+s3], $0x50, $0x38;
	[tilespmem:$0xB2A0] =	vst v63  }
0x16: {  	_ =	swait.ge [sflag:s12], $0x50  }
0x17: {  	[sflag:s12] =	ssyncset.done $0x0  }
0x18: {  	s31 =	sadd.s32 $0x0, s9;
	[sflag:s12] =	ssyncadd.s32 $0xFFFFFFB0  }
0x19: {  	[tilespmem:s13], [sflag:$0x2] =	stream.linear.gather [hbm4b:s31+s3], $0x50, $0x38;
	[tilespmem:$0xB2A0] =	vst v63  }
0x1a: {  	_ =	swait.ge [sflag:s12], $0x50  }
0x1b: {  	[sflag:s12] =	ssyncset.done $0x0  }
0x1c: {  	[sflag:s12] =	ssyncadd.s32 $0xFFFFFFB0  }
0x1d: {  	[tilespmem:s14], [sflag:$0x1] =	stream.indirect.gather [hbm4b:s4+s13], $0x40, s3, s13, $0xb8;
	[tilespmem:$0xB2A0] =	vst v63  }
0x1e: {  	_ =	swait.ge [sflag:s15], $0x1400  }
0x1f: {  	[sflag:s15] =	ssyncset.done $0x0  }
0x20: {  	[sflag:s15] =	ssyncadd.s32 $0xFFFFEC00  }
0x21: {  	[spmem:s2] =	stream.indirect.scatter.add.f32 [tilespmem:s14], [sflag:$0x2], $0x40, s13, s13, $0xb8;
	[tilespmem:$0xB2A0] =	vst v63  }
0x22: {  	_ =	swait.ge [sflag:s12], $0x1400  }
0x23: {  	s18 =	simm.s32 $0x14;
	s17 =	simm.s32 $0xA;
	[sflag:s12] =	ssyncset.done $0x0  }
.LBB2_2:
0x24: {  	s19 =	sadd.s32 s17, s10  }
0x25: {  	[sflag:s12] =	ssyncadd.s32 $0xFFFFEC00;
	s20 =	smov.u32 s18;
	s21 =	sadd.s32 $0xA, s18  }
0x26: {  	[tilespmem:s3], [sflag:$0x2] =	stream.linear.gather [hbm4b:s19+s3], $0x50, $0x38;
	[tilespmem:$0xB2A0] =	vst v63  }
0x27: {  	p0 =	sne.s32 s18, $0x9BA;
	_ =	swait.ge [sflag:s12], $0x50  }
0x28: {  	[sflag:s12] =	ssyncset.done $0x0  }
0x29: {  	s18 =	sadd.s32 s17, s9;
	s17 =	smov.u32 s20;
	[sflag:s12] =	ssyncadd.s32 $0xFFFFFFB0  }
0x2a: {  	[tilespmem:s13], [sflag:$0x2] =	stream.linear.gather [hbm4b:s18+s3], $0x50, $0x38;
	[tilespmem:$0xB2A0] =	vst v63  }
0x2b: {  	_ =	swait.ge [sflag:s12], $0x50  }
0x2c: {  	[sflag:s12] =	ssyncset.done $0x0  }
0x2d: {  	[sflag:s12] =	ssyncadd.s32 $0xFFFFFFB0  }
0x2e: {  	[tilespmem:s14], [sflag:$0x1] =	stream.indirect.gather [hbm4b:s4+s13], $0x40, s3, s13, $0xb8;
	[tilespmem:$0xB2A0] =	vst v63  }
0x2f: {  	_ =	swait.ge [sflag:s15], $0x1400  }
.Ltmp0:
0x30: {  	[sflag:s15] =	ssyncset.done $0x0;
	(pc) =	sbr.rel @p0 .LBB2_2-.Ltmp0, $4  }
0x31: {  	[sflag:s15] =	ssyncadd.s32 $0xFFFFEC00  }
0x32: {  	[spmem:s2] =	stream.indirect.scatter.add.f32 [tilespmem:s14], [sflag:$0x2], $0x40, s13, s13, $0xb8;
	[tilespmem:$0xB2A0] =	vst v63  }
0x33: {  	_ =	swait.ge [sflag:s12], $0x1400  }
0x34: {  	s18 =	smov.u32 s21;
	[sflag:s12] =	ssyncset.done $0x0  }
0x35: {  	s18 =	sadd.s32 s17, s10;
	[sflag:s12] =	ssyncadd.s32 $0xFFFFEC00  }
0x36: {  	[tilespmem:s3], [sflag:$0x2] =	stream.linear.gather [hbm4b:s18+s3], $0x50, $0x38;
	[tilespmem:$0xB2A0] =	vst v63  }
0x37: {  	_ =	swait.ge [sflag:s12], $0x50  }
0x38: {  	[sflag:s12] =	ssyncset.done $0x0  }
0x39: {  	s31 =	sadd.s32 s17, s9;
	[sflag:s12] =	ssyncadd.s32 $0xFFFFFFB0  }
0x3a: {  	[tilespmem:s13], [sflag:$0x2] =	stream.linear.gather [hbm4b:s31+s3], $0x50, $0x38;
	[tilespmem:$0xB2A0] =	vst v63  }
0x3b: {  	_ =	swait.ge [sflag:s12], $0x50  }
0x3c: {  	[sflag:s12] =	ssyncset.done $0x0  }
0x3d: {  	[sflag:s12] =	ssyncadd.s32 $0xFFFFFFB0  }
0x3e: {  	[tilespmem:s14], [sflag:$0x1] =	stream.indirect.gather [hbm4b:s4+s13], $0x40, s3, s13, $0xb8;
	[tilespmem:$0xB2A0] =	vst v63  }
0x3f: {  	_ =	swait.ge [sflag:s15], $0x1400  }
0x40: {  	[sflag:s15] =	ssyncset.done $0x0  }
0x41: {  	[sflag:s15] =	ssyncadd.s32 $0xFFFFEC00  }
0x42: {  	[spmem:s2] =	stream.indirect.scatter.add.f32 [tilespmem:s14], [sflag:$0x2], $0x40, s13, s13, $0xb8;
	[tilespmem:$0xB2A0] =	vst v63  }
0x43: {  	_ =	swait.ge [sflag:s12], $0x1400  }
0x44: {  	s16 =	sadd.s32 $0x1, s16;
	[sflag:s12] =	ssyncset.done $0x0  }
0x45: {  	p0 =	sne.s32 s16, s8;
	[sflag:s12] =	ssyncadd.s32 $0xFFFFEC00  }
.Ltmp1:
0x46: {  	[bflag:$0x0] =	sbarrier.arrive $0xFFFF;
	(pc) =	sbr.rel @p0 .LBB2_1-.Ltmp1, $4  }
0x47: {  	[hbm:s7], [sflag:s6] =	dma.local [spmem:s11], $0x13C0  }
0x48: {  	_ =	swait.ge [sflag:s12], $0x13C0  }
0x49: {  	[sflag:s12] =	ssyncset.done $0x0  }
0x4a: {  	[sflag:s12] =	ssyncadd.s32 $0xFFFFEC40  }
0x4b: {  	_ =	sfence.sel $0x180000  }
0x4c: {  	[bflag:$0x0] =	sbarrier.arrive $0xFFFF  }
0x4d: {  	p0 =	sne.s32 s0, $0x0;
	_ =	strace $0x9000004A  }
0x4e: {  	s0 =	sadd.s32 @!p0 $0x100000, s1;
	[bflag:$0x2] =	sbarrier.arrive $0xFFFF  }
0x4f: {  	[sflag:s0] =	ssyncadd.tile.s32 @!p0 $0x1;
	_ =	shalt  }
.Lfunc_end2:
_tile_overlayer_lowered:
.L_overlay_start_2:
0x50: {  	(tag) =	ssettag $0x2  }
0x51: {  	s0 =	rddreg [dreg:$0x0];
	s2 =	stileid.u32  }
0x52: {  	s1 =	rddreg [dreg:$0x1];
	p0 =	sne.s32 s2, $0x0  }
0x53: {  	s3 =	rddreg [dreg:$0x2];
	[bflag:$0x3] =	sbarrier.arrive $0xFFFF;
	s2 =	simm.s32 @!p0 $0x1C02  }
0x54: {  	[timem:s3], [sflag:s2] =	dma.local @!p0 [hbm:s0], s1  }
0x55: {  	s0 =	simm.s32 @!p0 $0x2  }
0x56: {  	_ =	swait.ge @!p0 [sflag:s0], s1  }
0x57: {  	s1 =	ssub.s32 @!p0 $0x0, s1;
	[sflag:s0] =	ssyncset.done @!p0 $0x0  }
0x58: {  	[sflag:s0] =	ssyncadd.s32 @!p0 s1  }
0x59: {  	[bflag:$0x3] =	sbarrier.arrive $0xFFFF  }
0x5a: {  	_ =	shalt  }

// kernel: kernel.14.cloned.1.call-start
scs
__scs_entry_jumppad:
0x0: {  	(pc) =	sbr.rel $0x88, $3  }
0x1: {  	(tag) =	ssettag $0x0;
	lr =	simm.s32 $0x1  }
0x2: {  	[smem:$0x3F9B] =	sst lr;
	_ =	strace $0xD0000000  }
0x3: {  	_ = 	snop  }
0x4: {  	_ = 	snop  }
0x5: {  	_ = 	snop  }
0x6: {  	_ = 	snop  }
0x7: {  	_ = 	snop  }
__scs_overlays_trampoline_lowered:
0x8: {  	[smem:$0x3FAA] =	sst s0  }
0x9: {  	[smem:$0x3FAB] =	sst s1  }
0xa: {  	[smem:$0x3FAC] =	sst s2  }
0xb: {  	[smem:$0x3FAD] =	sst s3  }
0xc: {  	[smem:$0x3FAE] =	sst s4  }
0xd: {  	[smem:$0x3FAF] =	sst s5  }
0xe: {  	[smem:$0x3FB0] =	sst s6  }
0xf: {  	[smem:$0x3FB1] =	sst s7  }
0x10: {  	[smem:$0x3FB2] =	sst s8  }
0x11: {  	[smem:$0x3FB3] =	sst s9;
	s0 =	simm.s32 @!p0 $0x0  }
0x12: {  	s1 =	sld [smem:$0x3F99];
	s0 =	simm.s32 @p0 $0x1  }
0x13: {  	[smem:$0x3FB4] =	sst s0;
	s0 =	simm.s32 @!p1 $0x0  }
0x14: {  	s2 =	sld [smem:$0x3F98];
	s0 =	simm.s32 @p1 $0x1  }
0x15: {  	[smem:$0x3FB5] =	sst s0;
	s0 =	simm.s32 @!p2 $0x0  }
0x16: {  	s3 =	sld [smem:$0x3FDB];
	s0 =	simm.s32 @p2 $0x1  }
0x17: {  	s4 =	simm.s32 $0x1BF5;
	[smem:$0x3FB7] =	sst s0  }
0x18: {  	s0 =	sld [smem:$0x3F9A];
	_ =	swait.ge [sflag:s4], $0x0  }
0x19: {  	s7 =	sld [smem:$0x3F9B]  }
0x1a: {  	s8 =	sadd.s32 $0xFFFFE003, lr  }
0x1b: {  	s9 =	sadd.s32 $0xFFFFFEF7, lr;
	s5 =	simm.s32 $0xFFFFFFFF;
	p2 =	slt.u32 s8, $0xFFFFF086  }
0x1c: {  	p1 =	slt.u32 s9, $0xF7A;
	s5 =	simm.s32 @!p2 $0x0  }
0x1d: {  	s5 =	simm.s32 @p1 $0x1;
	p0 =	seq.s32 s7, s2  }
0x1e: {  	s7 =	smul.u32 @!p0 $0xF7A, s2;
	p2 =	seq.s32 @!p0 s5, $0x0  }
0x1f: {  	s9 =	smul.u32 $0xF7A, s1;
	s8 =	simm.s32 @!p0 $0x1BF5;
	p2 =	por !p2, p0  }
0x20: {  	[sflag:s8] =	ssyncset.s32 @!p0 $0xFFFFF086;
	s6 =	sadd.s32 @!p0 s3, s7;
	s7 =	simm.s32 @!p0 $0x108  }
0x21: {  	s3 =	sadd.s32 s3, s9;
	s6 =	sadd.s32 @!p0 $0x88, s6;
	s7 =	simm.s32 @p2 $0x1082  }
0x22: {  	[simem:s7], [sflag:s8] =	dma.local @!p0 [hbm:s6], $0xF7A  }
0x23: {  	s9 =	sor.u32 $0xD0000000, s2;
	s6 =	simm.s32 $0x108;
	_ =	swait.ge @!p0 [sflag:s8], $0x0  }
0x24: {  	s3 =	sadd.s32 $0x88, s3;
	s6 =	simm.s32 @!p1 $0x1082;
	[sflag:s4] =	ssyncset.s32 $0xFFFFF086  }
0x25: {  	[simem:s6], [sflag:s4] =	dma.local [hbm:s3], $0xF7A  }
0x26: {  	[smem:$0x3F9B] =	sst s1;
	(tag) =	ssettag s2;
	_ =	strace s9  }
0x27: {  	s1 =	sld [smem:$0x3FAB]  }
0x28: {  	s2 =	sld [smem:$0x3FAC]  }
0x29: {  	s4 =	sld [smem:$0x3FAE]  }
0x2a: {  	p0 =	seq.s32 s5, $0x0;
	s5 =	sld [smem:$0x3FAF]  }
0x2b: {  	s6 =	sld [smem:$0x3FB0]  }
0x2c: {  	s7 =	sld [smem:$0x3FB1]  }
0x2d: {  	s3 =	simm.s32 $0x108;
	s8 =	sld [smem:$0x3FB2]  }
0x2e: {  	s3 =	simm.s32 @!p0 $0x1082;
	s9 =	sld [smem:$0x3FB3]  }
0x2f: {  	lr =	sadd.s32 s0, s3;
	s0 =	sld [smem:$0x3FAA]  }
0x30: {  	s3 =	sld [smem:$0x3FAD]  }
0x31: {  	[smem:$0x3FB6] =	sst s10  }
0x32: {  	s10 =	sld [smem:$0x3FB4];
	_ =	sdelay $0x3  }
0x33: {  	p0 =	seq.s32 s10, $0x1;
	s10 =	sld [smem:$0x3FB6];
	_ =	sdelay $0x3  }
0x34: {  	[smem:$0x3FB6] =	sst s10  }
0x35: {  	s10 =	sld [smem:$0x3FB5];
	_ =	sdelay $0x3  }
0x36: {  	p1 =	seq.s32 s10, $0x1;
	s10 =	sld [smem:$0x3FB6];
	_ =	sdelay $0x3  }
0x37: {  	[smem:$0x3FB6] =	sst s10  }
0x38: {  	s10 =	sld [smem:$0x3FB7]  }
0x39: {  	_ = 	snop;
	(pc) =	sbr.ind lr, $3  }
0x3a: {  	_ = 	snop  }
0x3b: {  	_ = 	snop  }
0x3c: {  	p2 =	seq.s32 s10, $0x1;
	s10 =	sld [smem:$0x3FB6]  }
0x3d: {  	_ =	shalt  }
0x3e: {  	_ =	shalt  }
0x3f: {  	_ =	shalt  }
0x40: {  	_ =	shalt  }
0x41: {  	_ =	shalt  }
0x42: {  	_ =	shalt  }
0x43: {  	_ =	shalt  }
0x44: {  	_ =	shalt  }
0x45: {  	_ =	shalt  }
0x46: {  	_ =	shalt  }
0x47: {  	_ =	shalt  }
0x48: {  	_ =	shalt  }
0x49: {  	_ =	shalt  }
0x4a: {  	_ =	shalt  }
0x4b: {  	_ =	shalt  }
0x4c: {  	_ =	shalt  }
0x4d: {  	_ =	shalt  }
0x4e: {  	_ =	shalt  }
0x4f: {  	_ =	shalt  }
0x50: {  	_ =	shalt  }
0x51: {  	_ =	shalt  }
0x52: {  	_ =	shalt  }
0x53: {  	_ =	shalt  }
0x54: {  	_ =	shalt  }
0x55: {  	_ =	shalt  }
0x56: {  	_ =	shalt  }
0x57: {  	_ =	shalt  }
0x58: {  	_ =	shalt  }
0x59: {  	_ =	shalt  }
0x5a: {  	_ =	shalt  }
0x5b: {  	_ =	shalt  }
0x5c: {  	_ =	shalt  }
0x5d: {  	_ =	shalt  }
0x5e: {  	_ =	shalt  }
0x5f: {  	_ =	shalt  }
0x60: {  	_ =	shalt  }
0x61: {  	_ =	shalt  }
0x62: {  	_ =	shalt  }
0x63: {  	_ =	shalt  }
0x64: {  	_ =	shalt  }
0x65: {  	_ =	shalt  }
0x66: {  	_ =	shalt  }
0x67: {  	_ =	shalt  }
0x68: {  	_ =	shalt  }
0x69: {  	_ =	shalt  }
0x6a: {  	_ =	shalt  }
0x6b: {  	_ =	shalt  }
0x6c: {  	_ =	shalt  }
0x6d: {  	_ =	shalt  }
0x6e: {  	_ =	shalt  }
0x6f: {  	_ =	shalt  }
0x70: {  	_ =	shalt  }
0x71: {  	_ =	shalt  }
0x72: {  	_ =	shalt  }
0x73: {  	_ =	shalt  }
0x74: {  	_ =	shalt  }
0x75: {  	_ =	shalt  }
0x76: {  	_ =	shalt  }
0x77: {  	_ =	shalt  }
0x78: {  	_ =	shalt  }
0x79: {  	_ =	shalt  }
0x7a: {  	_ =	shalt  }
0x7b: {  	_ =	shalt  }
0x7c: {  	_ =	shalt  }
0x7d: {  	_ =	shalt  }
0x7e: {  	_ =	shalt  }
0x7f: {  	_ =	shalt  }
0x80: {  	_ =	shalt  }
0x81: {  	_ =	shalt  }
0x82: {  	_ =	shalt  }
0x83: {  	_ =	shalt  }
0x84: {  	_ =	shalt  }
0x85: {  	_ =	shalt  }
0x86: {  	_ =	shalt  }
0x87: {  	_ =	shalt  }
.Lfunc_end0:
.L_simem_size_0:
called_computation.2_lowered:
.L_overlay_start_0:
0x88: {  	s2 =	sld [smem:$0x3FD9]  }
0x89: {  	s3 =	sld [smem:$0x3FFE];
	_ =	sdelay $0x1  }
0x8a: {  	s1 =	srdreg.scid  }
0x8b: {  	s0 =	sand.u32 $0x1, s1  }
0x8c: {  	s17 =	sshll.u32 s0, $0xA;
	s2 =	sadd.s32 s3, s2  }
0x8d: {  	s2 =	sadd.s32 s2, s17  }
0x8e: {  	[smem:$0x3FC2] =	sst s2  }
0x8f: {  	_ = 	snop  }
0x90: {  	s2 =	sld [smem:$0x3FD0];
	(tm) =	ssettm $0x1  }
0x91: {  	s18 =	sld [smem:$0x3FFB];
	_ =	sdelay $0x3  }
0x92: {  	_ =	strace s18  }
0x93: {  	s3 =	sld [smem:$0x3FFC];
	_ =	sdelay $0x3  }
0x94: {  	_ =	strace s3  }
0x95: {  	s3 =	sld [smem:$0x3FFD];
	_ =	sdelay $0x3  }
0x96: {  	_ =	strace s3  }
0x97: {  	_ =	strace $0x8FFFFFFF  }
0x98: {  	s19 =	sld [smem:$0x3FDB];
	_ =	sdelay $0x1  }
0x99: {  	s4 =	simm.s32 $_scs_section_size  }
0x9a: {  	s5 =	simm.s32 $_size__tile_overlayer_lowered;
	s6 =	simm.s32 $_tile_overlayer_lowered  }
0x9b: {  	s22 =	simm.s32 $0x1BFF;
	s21 =	sshll.u32 s6, $0x1;
	s3 =	sadd.s32 s4, s19  }
0x9c: {  	s7 =	simm.s32 $0x0;
	s20 =	sshll.u32 s5, $0x1;
	s5 =	sadd.s32 s21, s3  }
0x9d: {  	[timem:s7], [sflag:s22] =	dma.local [hbm:s5], s20  }
0x9e: {  	_ =	swait.ge [sflag:s22], s20  }
0x9f: {  	s4 =	ssub.s32 $0x0, s20;
	[sflag:s22] =	ssyncset.done $0x0  }
0xa0: {  	[sflag:s22] =	ssyncadd.s32 s4;
	_ =	sdelay $0x1  }
0xa1: {  	s23 =	simm.s32 $0x1B8B  }
0xa2: {  	_ =	swait.ge [sflag:s23], $0x1  }
0xa3: {  	[sflag:s23] =	ssyncset.done $0x0  }
0xa4: {  	s25 =	simm.s32 $0x1B8E;
	s24 =	sld [smem:$0x3FFE];
	[sflag:s23] =	ssyncadd.s32 $0xFFFFFFFF  }
0xa5: {  	s26 =	simm.s32 $execute0_lowered;
	[smem:$0x3FD2] =	sst s25  }
0xa6: {  	s5 =	sshll.u32 s26, $0x1;
	_ =	strace $0x8000004C;
	[dreg:$0x1] =	wrdreg $0xFFFFFFFF  }
0xa7: {  	s28 =	simm.s32 $_size_execute0_lowered;
	s3 =	sadd.s32 s3, s5;
	[dreg:$0x0] =	wrdreg $0x0  }
0xa8: {  	s5 =	sshll.u32 s28, $0x1;
	[dreg:$0x2] =	wrdreg s3  }
0xa9: {  	[dreg:$0x3] =	wrdreg s5  }
0xaa: {  	[dreg:$0x4] =	wrdreg $0xC0  }
0xab: {  	_ =	task [dreg:s7], $0x5FFFF  }
0xac: {  	[dreg:$0x1] =	wrdreg $0xFFFFFFFF  }
0xad: {  	[dreg:$0x0] =	wrdreg $0x60  }
0xae: {  	[dreg:$0x2] =	wrdreg s2  }
0xaf: {  	[dreg:$0x3] =	wrdreg s24  }
0xb0: {  	[dreg:$0x4] =	wrdreg $0xAA00  }
0xb1: {  	[dreg:$0x5] =	wrdreg $0x9  }
0xb2: {  	_ =	task.clear_ibuf [dreg:s7], $0x6FFFF;
	_ =	strace $0x9000004C  }
0xb3: {  	s29 =	simm.s32 $0x9;
	_ =	strace $0x8000004E  }
0xb4: {  	_ =	swait.ge [sflag:s29], $0x1  }
0xb5: {  	[sflag:s29] =	ssyncadd.s32 $0xFFFFFFFF  }
0xb6: {  	_ =	strace $0x9000004E  }
0xb7: {  	_ =	sfence  }
0xb8: {  	s30 =	sld [smem:$0x0];
	_ =	sdelay $0x2  }
0xb9: {  	s31 =	sshll.u32 s1, $0xD;
	s1 =	sshrl.u32 s1, $0x2  }
0xba: {  	s3 =	sand.u32 $0x4000, s31;
	s1 =	sadd.s32 s1, s30  }
0xbb: {  	s0 =	sor.u32 s3, s0;
	s1 =	sshll.u32 s1, $0x11  }
0xbc: {  	s0 =	sor.u32 s1, s0  }
0xbd: {  	s0 =	sadd.s32 $0x8F2B, s0  }
0xbe: {  	[sflag:s0] =	ssyncadd.remote.s32 $0x1  }
0xbf: {  	_ =	sfence.sel $0xFFFF  }
0xc0: {  	[dreg:$0x0] =	wrdreg $0xFFFFFFFF;
	(pc) =	sbr.abs _section_cstart, $3  }
0xc1: {  	[dreg:$0x1] =	wrdreg $0xFFFFFFFF  }
0xc2: {  	_ =	task.clear_ibuf [dreg:s7], $0x2FFFF;
	_ =	strace $0x9FFFFFFF  }
0xc3: {  	(tm) =	ssettm $0x7FFFFFFF  }
tec
execute0_lowered:
.L_overlay_start_1:
0x0: {  	(tag) =	ssettag $0x1  }
0x1: {  	s1 =	rddreg [dreg:$0x0]  }
0x2: {  	s2 =	srdreg.scid;
	s0 =	stileid.u32  }
0x3: {  	s5 =	rddreg [dreg:$0x1];
	s7 =	smul.u32 $0x4E20, s0  }
0x4: {  	s3 =	rddreg [dreg:$0x2];
	s4 =	simm.s32 $0x0;
	s24 =	smul.u32 $0x278, s0  }
0x5: {  	s14 =	simm.s32 $0xA0;
	s15 =	simm.s32 $0x1;
	s10 =	smul.u32 $0x9C4, s0  }
0x6: {  	s6 =	sand.u32 $0x1, s2;
	s2 =	rddreg [dreg:$0x3];
	s26 =	smul.u32 $0x13C00, s0  }
0x7: {  	s16 =	simm.s32 $0x0;
	[smem:$0x7FF] =	sst s4;
	s8 =	smul.u32 $0x4E200, s6  }
0x8: {  	s31 =	sshll.u32 s0, $0x6;
	s9 =	smul.u32 $0x2780, s6;
	s6 =	ssub.s32 $0x2, s6  }
0x9: {  	_ =	strace $0x8000004D;
	s28 =	sadd.s32 s10, s5;
	s30 =	sshrl.u32 s6, $0x1  }
0xa: {  	s7 =	sadd.s32 s7, s8;
	s25 =	sadd.s32 s24, s9;
	s8 =	sshrl.u32 s26, $0x2  }
0xb: {  	s12 =	ssub.s32 s6, s30;
	s6 =	sor.u32 $0x1C02, s31;
	s9 =	sadd.s32 $0x1400, s28  }
0xc: {  	s7 =	sshrl.u32 s7, $0x3;
	s13 =	sadd.s32 s8, s3;
	s8 =	smax.u32 s12, $0x1  }
0xd: {  	s12 =	simm.s32 $0x2;
	s11 =	sadd.s32 s7, s5;
	s7 =	sshll.u32 s25, $0x2  }
0xe: {  	s29 =	sadd.s32 s7, s5;
	s5 =	sadd.s32 s1, s7;
	s10 =	sadd.s32 $0xB200, s11  }
0xf: {  	s11 =	sshrl.u32 s13, $0x3;
	s13 =	simm.s32 $0x50;
	s7 =	sadd.s32 $0x6DC00, s29  }
.LBB2_1:
0x10: {  	[spmem:s11], [sflag:s6] =	dma.local [hbm:s5], $0x9E0  }
0x11: {  	_ =	swait.ge [sflag:s12], $0x9E0  }
0x12: {  	[sflag:s12] =	ssyncset.done $0x0  }
0x13: {  	[sflag:s12] =	ssyncadd.s32 $0xFFFFF620  }
0x14: {  	s17 =	sadd.s32 $0x0, s10;
	[bflag:$0x0] =	sbarrier.arrive $0xFFFF  }
0x15: {  	[tilespmem:s4], [sflag:$0x2] =	stream.linear.gather [hbm4b:s17+s4], $0x50, $0x38;
	[tilespmem:$0x59A0] =	vst v63  }
0x16: {  	_ =	swait.ge [sflag:s12], $0x50  }
0x17: {  	[sflag:s12] =	ssyncset.done $0x0  }
0x18: {  	s31 =	sadd.s32 $0x0, s9;
	[sflag:s12] =	ssyncadd.s32 $0xFFFFFFB0  }
0x19: {  	[tilespmem:s13], [sflag:$0x2] =	stream.linear.gather [hbm4b:s31+s4], $0x50, $0x38;
	[tilespmem:$0x59A0] =	vst v63  }
0x1a: {  	_ =	swait.ge [sflag:s12], $0x50  }
0x1b: {  	[sflag:s12] =	ssyncset.done $0x0  }
0x1c: {  	[sflag:s12] =	ssyncadd.s32 $0xFFFFFFB0  }
0x1d: {  	[tilespmem:s14], [sflag:$0x1] =	stream.indirect.gather [hbm4b:s1+s13], $0x20, s4, s13, $0xb8;
	[tilespmem:$0x59A0] =	vst v63  }
0x1e: {  	_ =	swait.ge [sflag:s15], $0xA00  }
0x1f: {  	[sflag:s15] =	ssyncset.done $0x0  }
0x20: {  	[sflag:s15] =	ssyncadd.s32 $0xFFFFF600  }
0x21: {  	[spmem:s3] =	stream.indirect.scatter.add.f32 [tilespmem:s14], [sflag:$0x2], $0x20, s13, s13, $0xb8;
	[tilespmem:$0x59A0] =	vst v63  }
0x22: {  	_ =	swait.ge [sflag:s12], $0xA00  }
0x23: {  	s18 =	simm.s32 $0x14;
	s17 =	simm.s32 $0xA;
	[sflag:s12] =	ssyncset.done $0x0  }
.LBB2_2:
0x24: {  	s19 =	sadd.s32 s17, s10  }
0x25: {  	[sflag:s12] =	ssyncadd.s32 $0xFFFFF600;
	s20 =	smov.u32 s18;
	s21 =	sadd.s32 $0xA, s18  }
0x26: {  	[tilespmem:s4], [sflag:$0x2] =	stream.linear.gather [hbm4b:s19+s4], $0x50, $0x38;
	[tilespmem:$0x59A0] =	vst v63  }
0x27: {  	p0 =	sne.s32 s18, $0x9BA;
	_ =	swait.ge [sflag:s12], $0x50  }
0x28: {  	[sflag:s12] =	ssyncset.done $0x0  }
0x29: {  	s18 =	sadd.s32 s17, s9;
	s17 =	smov.u32 s20;
	[sflag:s12] =	ssyncadd.s32 $0xFFFFFFB0  }
0x2a: {  	[tilespmem:s13], [sflag:$0x2] =	stream.linear.gather [hbm4b:s18+s4], $0x50, $0x38;
	[tilespmem:$0x59A0] =	vst v63  }
0x2b: {  	_ =	swait.ge [sflag:s12], $0x50  }
0x2c: {  	[sflag:s12] =	ssyncset.done $0x0  }
0x2d: {  	[sflag:s12] =	ssyncadd.s32 $0xFFFFFFB0  }
0x2e: {  	[tilespmem:s14], [sflag:$0x1] =	stream.indirect.gather [hbm4b:s1+s13], $0x20, s4, s13, $0xb8;
	[tilespmem:$0x59A0] =	vst v63  }
0x2f: {  	_ =	swait.ge [sflag:s15], $0xA00  }
.Ltmp0:
0x30: {  	[sflag:s15] =	ssyncset.done $0x0;
	(pc) =	sbr.rel @p0 .LBB2_2-.Ltmp0, $4  }
0x31: {  	[sflag:s15] =	ssyncadd.s32 $0xFFFFF600  }
0x32: {  	[spmem:s3] =	stream.indirect.scatter.add.f32 [tilespmem:s14], [sflag:$0x2], $0x20, s13, s13, $0xb8;
	[tilespmem:$0x59A0] =	vst v63  }
0x33: {  	_ =	swait.ge [sflag:s12], $0xA00  }
0x34: {  	s18 =	smov.u32 s21;
	[sflag:s12] =	ssyncset.done $0x0  }
0x35: {  	s18 =	sadd.s32 s17, s10;
	[sflag:s12] =	ssyncadd.s32 $0xFFFFF600  }
0x36: {  	[tilespmem:s4], [sflag:$0x2] =	stream.linear.gather [hbm4b:s18+s4], $0x50, $0x38;
	[tilespmem:$0x59A0] =	vst v63  }
0x37: {  	_ =	swait.ge [sflag:s12], $0x50  }
0x38: {  	[sflag:s12] =	ssyncset.done $0x0  }
0x39: {  	s31 =	sadd.s32 s17, s9;
	[sflag:s12] =	ssyncadd.s32 $0xFFFFFFB0  }
0x3a: {  	[tilespmem:s13], [sflag:$0x2] =	stream.linear.gather [hbm4b:s31+s4], $0x50, $0x38;
	[tilespmem:$0x59A0] =	vst v63  }
0x3b: {  	_ =	swait.ge [sflag:s12], $0x50  }
0x3c: {  	[sflag:s12] =	ssyncset.done $0x0  }
0x3d: {  	[sflag:s12] =	ssyncadd.s32 $0xFFFFFFB0  }
0x3e: {  	[tilespmem:s14], [sflag:$0x1] =	stream.indirect.gather [hbm4b:s1+s13], $0x20, s4, s13, $0xb8;
	[tilespmem:$0x59A0] =	vst v63  }
0x3f: {  	_ =	swait.ge [sflag:s15], $0xA00  }
0x40: {  	[sflag:s15] =	ssyncset.done $0x0  }
0x41: {  	[sflag:s15] =	ssyncadd.s32 $0xFFFFF600  }
0x42: {  	[spmem:s3] =	stream.indirect.scatter.add.f32 [tilespmem:s14], [sflag:$0x2], $0x20, s13, s13, $0xb8;
	[tilespmem:$0x59A0] =	vst v63  }
0x43: {  	_ =	swait.ge [sflag:s12], $0xA00  }
0x44: {  	s16 =	sadd.s32 $0x1, s16;
	[sflag:s12] =	ssyncset.done $0x0  }
0x45: {  	p0 =	sne.s32 s16, s8;
	[sflag:s12] =	ssyncadd.s32 $0xFFFFF600  }
.Ltmp1:
0x46: {  	[bflag:$0x0] =	sbarrier.arrive $0xFFFF;
	(pc) =	sbr.rel @p0 .LBB2_1-.Ltmp1, $4  }
0x47: {  	[hbm:s7], [sflag:s6] =	dma.local [spmem:s11], $0x9E0  }
0x48: {  	_ =	swait.ge [sflag:s12], $0x9E0  }
0x49: {  	[sflag:s12] =	ssyncset.done $0x0  }
0x4a: {  	[sflag:s12] =	ssyncadd.s32 $0xFFFFF620  }
0x4b: {  	_ =	sfence.sel $0x180000  }
0x4c: {  	[bflag:$0x0] =	sbarrier.arrive $0xFFFF  }
0x4d: {  	p0 =	sne.s32 s0, $0x0;
	_ =	strace $0x9000004D  }
0x4e: {  	s0 =	sadd.s32 @!p0 $0x100000, s2;
	[bflag:$0x2] =	sbarrier.arrive $0xFFFF  }
0x4f: {  	[sflag:s0] =	ssyncadd.tile.s32 @!p0 $0x1;
	_ =	shalt  }
.Lfunc_end2:
_tile_overlayer_lowered:
.L_overlay_start_2:
0x50: {  	(tag) =	ssettag $0x2  }
0x51: {  	s0 =	rddreg [dreg:$0x0];
	s2 =	stileid.u32  }
0x52: {  	s1 =	rddreg [dreg:$0x1];
	p0 =	sne.s32 s2, $0x0  }
0x53: {  	s3 =	rddreg [dreg:$0x2];
	[bflag:$0x3] =	sbarrier.arrive $0xFFFF;
	s2 =	simm.s32 @!p0 $0x1C02  }
0x54: {  	[timem:s3], [sflag:s2] =	dma.local @!p0 [hbm:s0], s1  }
0x55: {  	s0 =	simm.s32 @!p0 $0x2  }
0x56: {  	_ =	swait.ge @!p0 [sflag:s0], s1  }
0x57: {  	s1 =	ssub.s32 @!p0 $0x0, s1;
	[sflag:s0] =	ssyncset.done @!p0 $0x0  }
0x58: {  	[sflag:s0] =	ssyncadd.s32 @!p0 s1  }
0x59: {  	[bflag:$0x3] =	sbarrier.arrive $0xFFFF  }
0x5a: {  	_ =	shalt  }

// kernel: kernel.8.cloned.1.call-start
scs
__scs_entry_jumppad:
0x0: {  	(pc) =	sbr.rel $0x88, $3  }
0x1: {  	(tag) =	ssettag $0x0;
	lr =	simm.s32 $0x1  }
0x2: {  	[smem:$0x3F9B] =	sst lr;
	_ =	strace $0xD0000000  }
0x3: {  	_ = 	snop  }
0x4: {  	_ = 	snop  }
0x5: {  	_ = 	snop  }
0x6: {  	_ = 	snop  }
0x7: {  	_ = 	snop  }
__scs_overlays_trampoline_lowered:
0x8: {  	[smem:$0x3FAA] =	sst s0  }
0x9: {  	[smem:$0x3FAB] =	sst s1  }
0xa: {  	[smem:$0x3FAC] =	sst s2  }
0xb: {  	[smem:$0x3FAD] =	sst s3  }
0xc: {  	[smem:$0x3FAE] =	sst s4  }
0xd: {  	[smem:$0x3FAF] =	sst s5  }
0xe: {  	[smem:$0x3FB0] =	sst s6  }
0xf: {  	[smem:$0x3FB1] =	sst s7  }
0x10: {  	[smem:$0x3FB2] =	sst s8  }
0x11: {  	[smem:$0x3FB3] =	sst s9;
	s0 =	simm.s32 @!p0 $0x0  }
0x12: {  	s1 =	sld [smem:$0x3F99];
	s0 =	simm.s32 @p0 $0x1  }
0x13: {  	[smem:$0x3FB4] =	sst s0;
	s0 =	simm.s32 @!p1 $0x0  }
0x14: {  	s2 =	sld [smem:$0x3F98];
	s0 =	simm.s32 @p1 $0x1  }
0x15: {  	[smem:$0x3FB5] =	sst s0;
	s0 =	simm.s32 @!p2 $0x0  }
0x16: {  	s3 =	sld [smem:$0x3FDB];
	s0 =	simm.s32 @p2 $0x1  }
0x17: {  	s4 =	simm.s32 $0x1BF5;
	[smem:$0x3FB7] =	sst s0  }
0x18: {  	s0 =	sld [smem:$0x3F9A];
	_ =	swait.ge [sflag:s4], $0x0  }
0x19: {  	s7 =	sld [smem:$0x3F9B]  }
0x1a: {  	s8 =	sadd.s32 $0xFFFFE003, lr  }
0x1b: {  	s9 =	sadd.s32 $0xFFFFFEF7, lr;
	s5 =	simm.s32 $0xFFFFFFFF;
	p2 =	slt.u32 s8, $0xFFFFF086  }
0x1c: {  	p1 =	slt.u32 s9, $0xF7A;
	s5 =	simm.s32 @!p2 $0x0  }
0x1d: {  	s5 =	simm.s32 @p1 $0x1;
	p0 =	seq.s32 s7, s2  }
0x1e: {  	s7 =	smul.u32 @!p0 $0xF7A, s2;
	p2 =	seq.s32 @!p0 s5, $0x0  }
0x1f: {  	s9 =	smul.u32 $0xF7A, s1;
	s8 =	simm.s32 @!p0 $0x1BF5;
	p2 =	por !p2, p0  }
0x20: {  	[sflag:s8] =	ssyncset.s32 @!p0 $0xFFFFF086;
	s6 =	sadd.s32 @!p0 s3, s7;
	s7 =	simm.s32 @!p0 $0x108  }
0x21: {  	s3 =	sadd.s32 s3, s9;
	s6 =	sadd.s32 @!p0 $0x88, s6;
	s7 =	simm.s32 @p2 $0x1082  }
0x22: {  	[simem:s7], [sflag:s8] =	dma.local @!p0 [hbm:s6], $0xF7A  }
0x23: {  	s9 =	sor.u32 $0xD0000000, s2;
	s6 =	simm.s32 $0x108;
	_ =	swait.ge @!p0 [sflag:s8], $0x0  }
0x24: {  	s3 =	sadd.s32 $0x88, s3;
	s6 =	simm.s32 @!p1 $0x1082;
	[sflag:s4] =	ssyncset.s32 $0xFFFFF086  }
0x25: {  	[simem:s6], [sflag:s4] =	dma.local [hbm:s3], $0xF7A  }
0x26: {  	[smem:$0x3F9B] =	sst s1;
	(tag) =	ssettag s2;
	_ =	strace s9  }
0x27: {  	s1 =	sld [smem:$0x3FAB]  }
0x28: {  	s2 =	sld [smem:$0x3FAC]  }
0x29: {  	s4 =	sld [smem:$0x3FAE]  }
0x2a: {  	p0 =	seq.s32 s5, $0x0;
	s5 =	sld [smem:$0x3FAF]  }
0x2b: {  	s6 =	sld [smem:$0x3FB0]  }
0x2c: {  	s7 =	sld [smem:$0x3FB1]  }
0x2d: {  	s3 =	simm.s32 $0x108;
	s8 =	sld [smem:$0x3FB2]  }
0x2e: {  	s3 =	simm.s32 @!p0 $0x1082;
	s9 =	sld [smem:$0x3FB3]  }
0x2f: {  	lr =	sadd.s32 s0, s3;
	s0 =	sld [smem:$0x3FAA]  }
0x30: {  	s3 =	sld [smem:$0x3FAD]  }
0x31: {  	[smem:$0x3FB6] =	sst s10  }
0x32: {  	s10 =	sld [smem:$0x3FB4];
	_ =	sdelay $0x3  }
0x33: {  	p0 =	seq.s32 s10, $0x1;
	s10 =	sld [smem:$0x3FB6];
	_ =	sdelay $0x3  }
0x34: {  	[smem:$0x3FB6] =	sst s10  }
0x35: {  	s10 =	sld [smem:$0x3FB5];
	_ =	sdelay $0x3  }
0x36: {  	p1 =	seq.s32 s10, $0x1;
	s10 =	sld [smem:$0x3FB6];
	_ =	sdelay $0x3  }
0x37: {  	[smem:$0x3FB6] =	sst s10  }
0x38: {  	s10 =	sld [smem:$0x3FB7]  }
0x39: {  	_ = 	snop;
	(pc) =	sbr.ind lr, $3  }
0x3a: {  	_ = 	snop  }
0x3b: {  	_ = 	snop  }
0x3c: {  	p2 =	seq.s32 s10, $0x1;
	s10 =	sld [smem:$0x3FB6]  }
0x3d: {  	_ =	shalt  }
0x3e: {  	_ =	shalt  }
0x3f: {  	_ =	shalt  }
0x40: {  	_ =	shalt  }
0x41: {  	_ =	shalt  }
0x42: {  	_ =	shalt  }
0x43: {  	_ =	shalt  }
0x44: {  	_ =	shalt  }
0x45: {  	_ =	shalt  }
0x46: {  	_ =	shalt  }
0x47: {  	_ =	shalt  }
0x48: {  	_ =	shalt  }
0x49: {  	_ =	shalt  }
0x4a: {  	_ =	shalt  }
0x4b: {  	_ =	shalt  }
0x4c: {  	_ =	shalt  }
0x4d: {  	_ =	shalt  }
0x4e: {  	_ =	shalt  }
0x4f: {  	_ =	shalt  }
0x50: {  	_ =	shalt  }
0x51: {  	_ =	shalt  }
0x52: {  	_ =	shalt  }
0x53: {  	_ =	shalt  }
0x54: {  	_ =	shalt  }
0x55: {  	_ =	shalt  }
0x56: {  	_ =	shalt  }
0x57: {  	_ =	shalt  }
0x58: {  	_ =	shalt  }
0x59: {  	_ =	shalt  }
0x5a: {  	_ =	shalt  }
0x5b: {  	_ =	shalt  }
0x5c: {  	_ =	shalt  }
0x5d: {  	_ =	shalt  }
0x5e: {  	_ =	shalt  }
0x5f: {  	_ =	shalt  }
0x60: {  	_ =	shalt  }
0x61: {  	_ =	shalt  }
0x62: {  	_ =	shalt  }
0x63: {  	_ =	shalt  }
0x64: {  	_ =	shalt  }
0x65: {  	_ =	shalt  }
0x66: {  	_ =	shalt  }
0x67: {  	_ =	shalt  }
0x68: {  	_ =	shalt  }
0x69: {  	_ =	shalt  }
0x6a: {  	_ =	shalt  }
0x6b: {  	_ =	shalt  }
0x6c: {  	_ =	shalt  }
0x6d: {  	_ =	shalt  }
0x6e: {  	_ =	shalt  }
0x6f: {  	_ =	shalt  }
0x70: {  	_ =	shalt  }
0x71: {  	_ =	shalt  }
0x72: {  	_ =	shalt  }
0x73: {  	_ =	shalt  }
0x74: {  	_ =	shalt  }
0x75: {  	_ =	shalt  }
0x76: {  	_ =	shalt  }
0x77: {  	_ =	shalt  }
0x78: {  	_ =	shalt  }
0x79: {  	_ =	shalt  }
0x7a: {  	_ =	shalt  }
0x7b: {  	_ =	shalt  }
0x7c: {  	_ =	shalt  }
0x7d: {  	_ =	shalt  }
0x7e: {  	_ =	shalt  }
0x7f: {  	_ =	shalt  }
0x80: {  	_ =	shalt  }
0x81: {  	_ =	shalt  }
0x82: {  	_ =	shalt  }
0x83: {  	_ =	shalt  }
0x84: {  	_ =	shalt  }
0x85: {  	_ =	shalt  }
0x86: {  	_ =	shalt  }
0x87: {  	_ =	shalt  }
.Lfunc_end0:
.L_simem_size_0:
called_computation_lowered:
.L_overlay_start_0:
0x88: {  	s2 =	sld [smem:$0x3FD9]  }
0x89: {  	s3 =	sld [smem:$0x3FFE];
	_ =	sdelay $0x1  }
0x8a: {  	s1 =	srdreg.scid  }
0x8b: {  	s0 =	sand.u32 $0x1, s1  }
0x8c: {  	s17 =	sshll.u32 s0, $0xA;
	s2 =	sadd.s32 s3, s2  }
0x8d: {  	s2 =	sadd.s32 s2, s17  }
0x8e: {  	[smem:$0x3FC2] =	sst s2  }
0x8f: {  	_ = 	snop  }
0x90: {  	s2 =	sld [smem:$0x3FD0];
	(tm) =	ssettm $0x1  }
0x91: {  	s18 =	sld [smem:$0x3FFB];
	_ =	sdelay $0x3  }
0x92: {  	_ =	strace s18  }
0x93: {  	s3 =	sld [smem:$0x3FFC];
	_ =	sdelay $0x3  }
0x94: {  	_ =	strace s3  }
0x95: {  	s3 =	sld [smem:$0x3FFD];
	_ =	sdelay $0x3  }
0x96: {  	_ =	strace s3  }
0x97: {  	_ =	strace $0x8FFFFFFF  }
0x98: {  	s19 =	sld [smem:$0x3FDB];
	_ =	sdelay $0x1  }
0x99: {  	s4 =	simm.s32 $_scs_section_size  }
0x9a: {  	s5 =	simm.s32 $_size__tile_overlayer_lowered;
	s6 =	simm.s32 $_tile_overlayer_lowered  }
0x9b: {  	s22 =	simm.s32 $0x1BFF;
	s21 =	sshll.u32 s6, $0x1;
	s3 =	sadd.s32 s4, s19  }
0x9c: {  	s7 =	simm.s32 $0x0;
	s20 =	sshll.u32 s5, $0x1;
	s5 =	sadd.s32 s21, s3  }
0x9d: {  	[timem:s7], [sflag:s22] =	dma.local [hbm:s5], s20  }
0x9e: {  	_ =	swait.ge [sflag:s22], s20  }
0x9f: {  	s4 =	ssub.s32 $0x0, s20;
	[sflag:s22] =	ssyncset.done $0x0  }
0xa0: {  	[sflag:s22] =	ssyncadd.s32 s4;
	_ =	sdelay $0x1  }
0xa1: {  	s23 =	simm.s32 $0x1B8B  }
0xa2: {  	_ =	swait.ge [sflag:s23], $0x1  }
0xa3: {  	[sflag:s23] =	ssyncset.done $0x0  }
0xa4: {  	s25 =	simm.s32 $0x1B8E;
	s24 =	sld [smem:$0x3FFE];
	[sflag:s23] =	ssyncadd.s32 $0xFFFFFFFF  }
0xa5: {  	s26 =	simm.s32 $execute0_lowered;
	[smem:$0x3FD2] =	sst s25  }
0xa6: {  	s5 =	sshll.u32 s26, $0x1;
	_ =	strace $0x80000046;
	[dreg:$0x1] =	wrdreg $0xFFFFFFFF  }
0xa7: {  	s28 =	simm.s32 $_size_execute0_lowered;
	s3 =	sadd.s32 s3, s5;
	[dreg:$0x0] =	wrdreg $0x0  }
0xa8: {  	s5 =	sshll.u32 s28, $0x1;
	[dreg:$0x2] =	wrdreg s3  }
0xa9: {  	[dreg:$0x3] =	wrdreg s5  }
0xaa: {  	[dreg:$0x4] =	wrdreg $0xC0  }
0xab: {  	_ =	task [dreg:s7], $0x5FFFF  }
0xac: {  	[dreg:$0x1] =	wrdreg $0xFFFFFFFF  }
0xad: {  	[dreg:$0x0] =	wrdreg $0x60  }
0xae: {  	[dreg:$0x2] =	wrdreg s24  }
0xaf: {  	[dreg:$0x3] =	wrdreg s2  }
0xb0: {  	[dreg:$0x4] =	wrdreg $0x2CD00  }
0xb1: {  	[dreg:$0x5] =	wrdreg $0x9  }
0xb2: {  	_ =	task.clear_ibuf [dreg:s7], $0x6FFFF;
	_ =	strace $0x90000046  }
0xb3: {  	s29 =	simm.s32 $0x9;
	_ =	strace $0x80000048  }
0xb4: {  	_ =	swait.ge [sflag:s29], $0x1  }
0xb5: {  	[sflag:s29] =	ssyncadd.s32 $0xFFFFFFFF  }
0xb6: {  	_ =	strace $0x90000048  }
0xb7: {  	_ =	sfence  }
0xb8: {  	s30 =	sld [smem:$0x0];
	_ =	sdelay $0x2  }
0xb9: {  	s31 =	sshll.u32 s1, $0xD;
	s1 =	sshrl.u32 s1, $0x2  }
0xba: {  	s3 =	sand.u32 $0x4000, s31;
	s1 =	sadd.s32 s1, s30  }
0xbb: {  	s0 =	sor.u32 s3, s0;
	s1 =	sshll.u32 s1, $0x11  }
0xbc: {  	s0 =	sor.u32 s1, s0  }
0xbd: {  	s0 =	sadd.s32 $0x8F2B, s0  }
0xbe: {  	[sflag:s0] =	ssyncadd.remote.s32 $0x1  }
0xbf: {  	_ =	sfence.sel $0xFFFF  }
0xc0: {  	[dreg:$0x0] =	wrdreg $0xFFFFFFFF;
	(pc) =	sbr.abs _section_cstart, $3  }
0xc1: {  	[dreg:$0x1] =	wrdreg $0xFFFFFFFF  }
0xc2: {  	_ =	task.clear_ibuf [dreg:s7], $0x2FFFF;
	_ =	strace $0x9FFFFFFF  }
0xc3: {  	(tm) =	ssettm $0x7FFFFFFF  }
tec
execute0_lowered:
.L_overlay_start_1:
0x0: {  	(tag) =	ssettag $0x1  }
0x1: {  	s4 =	rddreg [dreg:$0x0];
	s0 =	srdreg.scid  }
0x2: {  	s5 =	rddreg [dreg:$0x1];
	s6 =	sand.u32 $0x1, s0  }
0x3: {  	s0 =	stileid.u32;
	s7 =	smul.u32 $0x27100, s6  }
0x4: {  	s2 =	rddreg [dreg:$0x2];
	s8 =	smul.u32 $0x2710, s0  }
0x5: {  	s1 =	rddreg [dreg:$0x3];
	s9 =	smul.u32 $0x4F0, s0  }
0x6: {  	s3 =	simm.s32 $0x0;
	s13 =	simm.s32 $0x0;
	s30 =	smul.u32 $0x9E00, s0  }
0x7: {  	[smem:$0x7FF] =	sst s3;
	s10 =	smul.u32 $0x4F00, s6;
	s31 =	ssub.s32 $0x2, s6  }
0x8: {  	_ =	strace $0x80000047;
	s11 =	sshll.u32 s0, $0x6;
	s6 =	sshrl.u32 s31, $0x1  }
0x9: {  	s11 =	sor.u32 $0x1C01, s11;
	s7 =	sadd.s32 s8, s7;
	s8 =	sshrl.u32 s30, $0x2  }
0xa: {  	s9 =	sadd.s32 s9, s10;
	s6 =	ssub.s32 s31, s6;
	s10 =	simm.s32 $0x50  }
0xb: {  	s7 =	sshrl.u32 s7, $0x3;
	s5 =	sadd.s32 s5, s9;
	s6 =	smax.u32 s6, $0x1  }
0xc: {  	s9 =	simm.s32 $0x1;
	s7 =	sadd.s32 s7, s4;
	s4 =	sadd.s32 s8, s2  }
0xd: {  	v0 =	vimm.f32 $1.000000000e+00;
	v1 =	vimm.f32 $0.0e+00;
	s8 =	simm.s32 $0x550;
	s7 =	sadd.s32 $0x1400, s7;
	s12 =	sshrl.u32 s4, $0x3  }
.LBB2_1:
0xe: {  	s14 =	simm.s32 $0x0  }
.LBB2_2:
0xf: {  	p0 =	sne.s32 s14, $0x13C0  }
.Ltmp0:
0x10: {  	_ = 	snop;
	(pc) =	sbr.rel @p0 .LBB2_2-.Ltmp0, $3  }
0x11: {  	_ =	sdelay $0x1  }
0x12: {  	s15 =	sshra.s32 s14, $0x2  }
0x13: {  	s14 =	sadd.s32 $0x40, s14;
	[tilespmem:s15+$0x50] =	vst v0  }
0x14: {  	s14 =	simm.s32 $0x40;
	s15 =	simm.s32 $0x0  }
.LBB2_4:
0x15: {  	p0 =	sne.s32 s14, $0x9DC0;
	[tilespmem:s15+$0x550] =	vst v1;
	s15 =	smov.u32 s14;
	s14 =	sadd.s32 $0x40, s14  }
.Ltmp1:
0x16: {  	(pc) =	sbr.rel @p0 .LBB2_4-.Ltmp1, $2  }
0x17: {  	_ =	sdelay $0x2  }
0x18: {  	s15 =	sshra.s32 s15, $0x2  }
0x19: {  	[tilespmem:s15+$0x550] =	vst v1  }
0x1a: {  	[spmem:s4] =	stream.linear.scatter [tilespmem:s8], [sflag:$0x1], $0x2780, $0x38;
	[tilespmem:$0x5450] =	vst v63  }
0x1b: {  	_ =	swait.ge [sflag:s9], $0x2780  }
0x1c: {  	[sflag:s9] =	ssyncset.done $0x0  }
0x1d: {  	[sflag:s9] =	ssyncadd.s32 $0xFFFFD880  }
0x1e: {  	s14 =	sadd.s32 $0x0, s7;
	[bflag:$0x0] =	sbarrier.arrive $0xFFFF  }
0x1f: {  	[tilespmem:s3], [sflag:$0x1] =	stream.linear.gather [hbm4b:s14+s3], $0x50, $0x38;
	[tilespmem:$0x5450] =	vst v63  }
0x20: {  	_ =	swait.ge [sflag:s9], $0x50  }
0x21: {  	[sflag:s9] =	ssyncset.done $0x0  }
0x22: {  	[sflag:s9] =	ssyncadd.s32 $0xFFFFFFB0  }
0x23: {  	[spmem:s2] =	stream.indirect.scatter.add.f32 [tilespmem:s10], [sflag:$0x1], $0x10, s3, s10, $0xb8;
	[tilespmem:$0x5450] =	vst v63  }
0x24: {  	_ =	swait.ge [sflag:s9], $0x500  }
0x25: {  	s15 =	simm.s32 $0x14;
	s14 =	simm.s32 $0xA;
	[sflag:s9] =	ssyncset.done $0x0  }
.LBB2_6:
0x26: {  	s16 =	sadd.s32 s14, s7  }
0x27: {  	[sflag:s9] =	ssyncadd.s32 $0xFFFFFB00;
	s14 =	smov.u32 s15;
	s17 =	sadd.s32 $0xA, s15  }
0x28: {  	[tilespmem:s3], [sflag:$0x1] =	stream.linear.gather [hbm4b:s16+s3], $0x50, $0x38;
	[tilespmem:$0x5450] =	vst v63  }
0x29: {  	p0 =	sne.s32 s15, $0x4D8;
	_ =	swait.ge [sflag:s9], $0x50  }
.Ltmp2:
0x2a: {  	[sflag:s9] =	ssyncset.done $0x0;
	(pc) =	sbr.rel @p0 .LBB2_6-.Ltmp2, $4  }
0x2b: {  	[sflag:s9] =	ssyncadd.s32 $0xFFFFFFB0  }
0x2c: {  	[spmem:s2] =	stream.indirect.scatter.add.f32 [tilespmem:s10], [sflag:$0x1], $0x10, s3, s10, $0xb8;
	[tilespmem:$0x5450] =	vst v63  }
0x2d: {  	_ =	swait.ge [sflag:s9], $0x500  }
0x2e: {  	s15 =	smov.u32 s17;
	[sflag:s9] =	ssyncset.done $0x0  }
0x2f: {  	s14 =	sadd.s32 s14, s7;
	[sflag:s9] =	ssyncadd.s32 $0xFFFFFB00  }
0x30: {  	[tilespmem:s3], [sflag:$0x1] =	stream.linear.gather [hbm4b:s14+s3], $0x50, $0x38;
	[tilespmem:$0x5450] =	vst v63  }
0x31: {  	_ =	swait.ge [sflag:s9], $0x50  }
0x32: {  	[sflag:s9] =	ssyncset.done $0x0  }
0x33: {  	[sflag:s9] =	ssyncadd.s32 $0xFFFFFFB0  }
0x34: {  	[spmem:s2] =	stream.indirect.scatter.add.f32 [tilespmem:s10], [sflag:$0x1], $0x10, s3, s10, $0xb8;
	[tilespmem:$0x5450] =	vst v63  }
0x35: {  	_ =	swait.ge [sflag:s9], $0x500  }
0x36: {  	s13 =	sadd.s32 $0x1, s13;
	[sflag:s9] =	ssyncset.done $0x0  }
0x37: {  	p0 =	sne.s32 s13, s6;
	[sflag:s9] =	ssyncadd.s32 $0xFFFFFB00  }
.Ltmp3:
0x38: {  	[bflag:$0x0] =	sbarrier.arrive $0xFFFF;
	(pc) =	sbr.rel @p0 .LBB2_1-.Ltmp3, $4  }
0x39: {  	[hbm:s5], [sflag:s11] =	dma.local [spmem:s12], $0x4F0  }
0x3a: {  	_ =	swait.ge [sflag:s9], $0x4F0  }
0x3b: {  	[sflag:s9] =	ssyncset.done $0x0  }
0x3c: {  	[sflag:s9] =	ssyncadd.s32 $0xFFFFFB10  }
0x3d: {  	_ =	sfence.sel $0x180000  }
0x3e: {  	[bflag:$0x0] =	sbarrier.arrive $0xFFFF  }
0x3f: {  	p0 =	sne.s32 s0, $0x0;
	_ =	strace $0x90000047  }
0x40: {  	s0 =	sadd.s32 @!p0 $0x100000, s1;
	[bflag:$0x2] =	sbarrier.arrive $0xFFFF  }
0x41: {  	[sflag:s0] =	ssyncadd.tile.s32 @!p0 $0x1;
	_ =	shalt  }
.Lfunc_end2:
_tile_overlayer_lowered:
.L_overlay_start_2:
0x42: {  	(tag) =	ssettag $0x2  }
0x43: {  	s0 =	rddreg [dreg:$0x0];
	s2 =	stileid.u32  }
0x44: {  	s1 =	rddreg [dreg:$0x1];
	p0 =	sne.s32 s2, $0x0  }
0x45: {  	s3 =	rddreg [dreg:$0x2];
	[bflag:$0x3] =	sbarrier.arrive $0xFFFF;
	s2 =	simm.s32 @!p0 $0x1C01  }
0x46: {  	[timem:s3], [sflag:s2] =	dma.local @!p0 [hbm:s0], s1  }
0x47: {  	s0 =	simm.s32 @!p0 $0x1  }
0x48: {  	_ =	swait.ge @!p0 [sflag:s0], s1  }
0x49: {  	s1 =	ssub.s32 @!p0 $0x0, s1;
	[sflag:s0] =	ssyncset.done @!p0 $0x0  }
0x4a: {  	[sflag:s0] =	ssyncadd.s32 @!p0 s1  }
0x4b: {  	[bflag:$0x3] =	sbarrier.arrive $0xFFFF  }
0x4c: {  	_ =	shalt  }

</sc_bundles>
